<compile_context>
chip_gen: v7x
topology: tpu7x:2x2x1
jax: 0.10.2.dev20260603
libtpu: 0.0.44.dev20260713+nightly
codegen_flags: <defaults>
</compile_context>

<pallas_src>
import jax
import jax.numpy as jnp
from jax import lax
from jax.experimental import pallas as pl
from jax.experimental.pallas import tpu as pltpu
from jax.experimental.pallas import tpu_sc as plsc

BS = 2048
NF = 256
EMB = 64
H = 2
E = 8192
NWK = 8
EPW = E // (NWK // H)
SB = 256
NBLK = BS // SB
NPAIR = BS * NF

f32 = jnp.float32


def _prep_body(fe, asw2, adw2, as_o, ad_o):
    f = fe[...]
    as_o[...] = jnp.dot(f, asw2[...], preferred_element_type=f32)
    ad_o[...] = jnp.dot(f, adw2[...], preferred_element_type=f32)


def _prep(fe, asw2, adw2):
    return pl.pallas_call(
        _prep_body,
        out_shape=(
            jax.ShapeDtypeStruct((NF, H), f32),
            jax.ShapeDtypeStruct((NF, H), f32),
        ),
    )(fe, asw2, adw2)


def _gat_sc_body(as_hbm, ad_hbm, se_hbm, de_hbm, s_o,
                 as_v, ad_v, se_v, de_v, s_v):
    wid = lax.axis_index("s") * 2 + lax.axis_index("c")

    @pl.when(wid < NWK)
    def _():
        head = wid & 1
        base = (wid >> 1) * EPW

        pltpu.sync_copy(as_hbm, as_v)
        pltpu.sync_copy(ad_hbm, ad_v)
        pltpu.sync_copy(se_hbm.at[pl.ds(base, EPW)], se_v)
        pltpu.sync_copy(de_hbm.at[pl.ds(base, EPW)], de_v)

        z16 = jnp.zeros((16,), f32)

        def _zero(r, _):
            for u in range(NF // 16):
                s_v[r, pl.ds(u * 16, 16)] = z16
            return 0
        lax.fori_loop(0, NF, _zero, 0)

        def _edges(g, _):
            off = pl.multiple_of(g * 16, 16)
            sv = se_v[pl.ds(off, 16)]
            dv = de_v[pl.ds(off, 16)]
            asg = plsc.load_gather(as_v, [sv * H + head])
            adg = plsc.load_gather(ad_v, [dv * H + head])
            al = asg + adg
            al = jnp.where(al > 0, al, al * 0.2)
            ex = jnp.exp(al)
            plsc.addupdate_scatter(s_v, [dv, sv], ex)
            return 0
        lax.fori_loop(0, EPW // 16, _edges, 0)

        pltpu.sync_copy(s_v, s_o.at[wid])


def _gat_sc(a_src, a_dst, se, de):
    mesh = plsc.VectorSubcoreMesh(core_axis_name="c", subcore_axis_name="s")
    fn = pl.kernel(
        _gat_sc_body, mesh=mesh,
        out_type=jax.ShapeDtypeStruct((NWK, NF, NF), f32),
        scratch_types=[
            pltpu.VMEM((NF * H,), f32),
            pltpu.VMEM((NF * H,), f32),
            pltpu.VMEM((EPW,), jnp.int32),
            pltpu.VMEM((EPW,), jnp.int32),
            pltpu.VMEM((NF, NF), f32),
        ],
        compiler_params=pltpu.CompilerParams(needs_layout_passes=False),
    )
    return fn(a_src.reshape(NF * H), a_dst.reshape(NF * H), se, de)


def _lrelu(z, s):
    return jnp.maximum(z, z * s)


def _fold_prep(fe_r, wg_r, ne_r, w1a_r, sp_r, bias_r, w1b_r, g1_r, be1_r,
               at4_s, bt4_s):
    s0 = sp_r[0]
    s1m = sp_r[1]
    for w in range(2, NWK, 2):
        s0 = s0 + sp_r[w]
        s1m = s1m + sp_r[w + 1]
    den0 = jnp.sum(s0, axis=1, keepdims=True) + 1e-16
    den1 = jnp.sum(s1m, axis=1, keepdims=True) + 1e-16
    x = jnp.dot(fe_r[...], wg_r[...], preferred_element_type=f32)
    agg0 = jnp.dot(s0, x[:, :32], preferred_element_type=f32) / den0
    agg1 = jnp.dot(s1m, x[:, 32:], preferred_element_type=f32) / den1
    msg = jnp.concatenate([agg0, agg1], axis=1) + bias_r[...]
    b = jnp.dot(msg, w1b_r[...], preferred_element_type=f32)
    a = jnp.dot(ne_r[...], w1a_r[...], preferred_element_type=f32)
    am = jnp.mean(a, axis=0, keepdims=True)
    av = jnp.mean(a * a, axis=0, keepdims=True) - am * am
    bm = jnp.mean(b, axis=0, keepdims=True)
    bv = jnp.mean(b * b, axis=0, keepdims=True) - bm * bm
    sc1 = jax.lax.rsqrt(av + bv + 1e-5) * g1_r[...]
    at = (a - am) * sc1
    bt = (b - bm) * sc1 + be1_r[...]
    at4_s[...] = jnp.concatenate([at, at, at, at], axis=1).astype(jnp.bfloat16)
    bt4_s[...] = jnp.concatenate(
        [bt[0:64], bt[64:128], bt[128:192], bt[192:256]],
        axis=1).astype(jnp.bfloat16)


def _mlp_body(fe_r, wg_r, ne_r, w1a_r, sp_r, bias_r, w1b_r, g1_r, be1_r,
              w2u_r, g2_r, be2_r, w3b_r, b3_r, out_o,
              at4_s, bt4_s, stats_s, w2s_s, c2_s):
    i = pl.program_id(0)

    @pl.when(i == 0)
    def _():
        _fold_prep(fe_r, wg_r, ne_r, w1a_r, sp_r, bias_r, w1b_r, g1_r,
                   be1_r, at4_s, bt4_s)
        stats_s[...] = jnp.zeros((2, 128), f32)

    @pl.when(i < NBLK)
    def _():
        ablk = at4_s[pl.ds(i * SB, SB), :]
        z = ablk[:, None, :] + bt4_s[...][None, :, :]
        h1 = _lrelu(z, 0.01).reshape(SB * EMB, 4 * EMB)
        y = jnp.dot(h1, w2u_r[...], preferred_element_type=f32)
        sy = jnp.sum(y, axis=0, keepdims=True)
        syy = jnp.sum(y * y, axis=0, keepdims=True)
        stats_s[...] = stats_s[...] + jnp.concatenate([sy, syy], axis=0)

    @pl.when(i == NBLK)
    def _():
        st = stats_s[...]
        sy = (st[0:1, 0:32] + st[0:1, 32:64] + st[0:1, 64:96]
              + st[0:1, 96:128])
        syy = (st[1:2, 0:32] + st[1:2, 32:64] + st[1:2, 64:96]
               + st[1:2, 96:128])
        my = sy / NPAIR
        vy = syy / NPAIR - my * my
        s2 = g2_r[...] * jax.lax.rsqrt(vy + 1e-5)
        c2 = be2_r[...] - my * s2
        s2t = jnp.concatenate([s2, s2, s2, s2], axis=1)
        w2s_s[...] = (w2u_r[...].astype(f32) * s2t).astype(jnp.bfloat16)
        c2_s[...] = jnp.concatenate([c2, c2, c2, c2], axis=1)

    @pl.when(i >= NBLK)
    def _():
        j = i - NBLK
        ablk = at4_s[pl.ds(j * SB, SB), :]
        z = ablk[:, None, :] + bt4_s[...][None, :, :]
        h1 = _lrelu(z, 0.01).reshape(SB * EMB, 4 * EMB)
        yp = jnp.dot(h1, w2s_s[...], preferred_element_type=f32) + c2_s[...]
        h2 = _lrelu(yp, 0.01)
        v = jnp.dot(h2, w3b_r[...], preferred_element_type=f32) + b3_r[0, 0]
        v3 = v.reshape(SB, EMB, 4)
        out_o[...] = jnp.swapaxes(v3, 1, 2).reshape(SB, NF)


def _mlp(fe, wg, ne, w1a, sparts, bias_gat, w1b, g1, be1, w2u, g2, be2,
         w3b, b3):
    full = lambda s: pl.BlockSpec(s, lambda i: tuple(0 for _ in s))
    return pl.pallas_call(
        _mlp_body,
        grid=(2 * NBLK,),
        in_specs=[
            full((NF, EMB)),
            full((EMB, EMB)),
            full((BS, EMB)),
            full((EMB, EMB)),
            full((NWK, NF, NF)),
            full((1, EMB)),
            full((EMB, EMB)),
            full((1, EMB)),
            full((1, EMB)),
            full((4 * EMB, 128)),
            full((1, 32)),
            full((1, 32)),
            full((128, 4)),
            full((1, 1)),
        ],
        out_specs=pl.BlockSpec(
            (SB, NF), lambda i: (jnp.maximum(i - NBLK, 0), 0)),
        out_shape=jax.ShapeDtypeStruct((BS, NF), f32),
        scratch_shapes=[
            pltpu.VMEM((BS, 4 * EMB), jnp.bfloat16),
            pltpu.VMEM((EMB, 4 * EMB), jnp.bfloat16),
            pltpu.VMEM((2, 128), f32),
            pltpu.VMEM((4 * EMB, 128), jnp.bfloat16),
            pltpu.VMEM((1, 128), f32),
        ],
        compiler_params=pltpu.CompilerParams(
            dimension_semantics=("arbitrary",)),
    )(fe, wg, ne, w1a, sparts, bias_gat, w1b, g1, be1, w2u, g2, be2, w3b, b3)


def kernel(node_emb, feature_emb, relation_index, W_gat, att_src, att_dst,
           bias_gat, W1, b1, g1, be1, W2, b2, g2, be2, W3, b3):
    se = relation_index[0].astype(jnp.int32)
    de = relation_index[1].astype(jnp.int32)
    asw = jnp.zeros((EMB, H), f32).at[:32, 0].set(att_src[0]).at[32:, 1].set(att_src[1])
    adw = jnp.zeros((EMB, H), f32).at[:32, 0].set(att_dst[0]).at[32:, 1].set(att_dst[1])
    w1a = W1[:EMB]
    w1b = W1[EMB:]
    zpad = jnp.zeros((EMB, 32), f32)
    w2u = jnp.concatenate([
        jnp.concatenate([W2, zpad, zpad, zpad], axis=1),
        jnp.concatenate([zpad, W2, zpad, zpad], axis=1),
        jnp.concatenate([zpad, zpad, W2, zpad], axis=1),
        jnp.concatenate([zpad, zpad, zpad, W2], axis=1)],
        axis=0).astype(jnp.bfloat16)
    w3col = W3[:, 0]
    z32 = jnp.zeros((32,), f32)
    w3b = jnp.stack([
        jnp.concatenate([w3col, z32, z32, z32]),
        jnp.concatenate([z32, w3col, z32, z32]),
        jnp.concatenate([z32, z32, w3col, z32]),
        jnp.concatenate([z32, z32, z32, w3col])], axis=1)

    a_src, a_dst = _prep(feature_emb, W_gat @ asw, W_gat @ adw)
    sparts = _gat_sc(a_src, a_dst, se, de)

    out = _mlp(feature_emb, W_gat, node_emb, w1a, sparts,
               bias_gat.reshape(1, EMB), w1b,
               g1.reshape(1, EMB), be1.reshape(1, EMB), w2u,
               g2.reshape(1, 32), be2.reshape(1, 32), w3b, b3.reshape(1, 1))
    return out

# --- scband reference (transcript-rebuilt; emitter-appended) ---
"""Pipeline reference for scband-attention-edge-prediction-head-78314433675288 (READ-ONLY COPY).

The authoritative reference and input builder live on the scoring server;
editing this copy changes nothing except your own understanding.
"""

import jax, jax.numpy as jnp
import numpy as np

BS = 2048
NF = 256
EMB = 64
HEADS = 2
OUT = EMB // 2 // HEADS * HEADS // HEADS  # 32 per head
E_REL = 8192


def setup_inputs(seed: int = 0) -> dict:
    key = jax.random.key(seed)
    ks = jax.random.split(key, 20)
    d = {}
    d['node_emb'] = jax.random.normal(ks[0], (BS, EMB), dtype=jnp.float32)
    d['feature_emb'] = jax.random.normal(ks[1], (NF, EMB), dtype=jnp.float32)
    d['relation_index'] = jax.random.randint(ks[2], (2, E_REL), 0, NF, dtype=jnp.int64)
    # GATConv params: in=64, heads=2, out_per_head=32, concat -> msg dim 64
    d['W_gat'] = jax.random.normal(ks[3], (EMB, HEADS * 32), dtype=jnp.float32) * 0.05
    d['att_src'] = jax.random.normal(ks[4], (HEADS, 32), dtype=jnp.float32) * 0.05
    d['att_dst'] = jax.random.normal(ks[5], (HEADS, 32), dtype=jnp.float32) * 0.05
    d['bias_gat'] = jnp.zeros((HEADS * 32,), dtype=jnp.float32)
    # decode MLP: in_channels = 64 + 64 = 128 -> 64 -> 32 -> 1, with BatchNorm (training-mode batch stats)
    d['W1'] = jax.random.normal(ks[6], (128, 64), dtype=jnp.float32) * 0.05
    d['b1'] = jnp.zeros((64,), dtype=jnp.float32)
    d['g1'] = jnp.ones((64,), dtype=jnp.float32)
    d['be1'] = jnp.zeros((64,), dtype=jnp.float32)
    d['W2'] = jax.random.normal(ks[7], (64, 32), dtype=jnp.float32) * 0.05
    d['b2'] = jnp.zeros((32,), dtype=jnp.float32)
    d['g2'] = jnp.ones((32,), dtype=jnp.float32)
    d['be2'] = jnp.zeros((32,), dtype=jnp.float32)
    d['W3'] = jax.random.normal(ks[8], (32, 1), dtype=jnp.float32) * 0.05
    d['b3'] = jnp.zeros((1,), dtype=jnp.float32)
    return d


def _batch_norm(z, g, b):
    m = z.mean(axis=0)
    v = z.var(axis=0)
    return (z - m) / jnp.sqrt(v + 1e-5) * g + b


def reference(node_emb, feature_emb, relation_index, W_gat, att_src, att_dst, bias_gat,
              W1, b1, g1, be1, W2, b2, g2, be2, W3, b3):
    # ---- GATConv over the feature relation graph (add_self_loops=False) ----
    x = (feature_emb @ W_gat).reshape(NF, HEADS, 32)          # [NF, H, 32]
    a_src = (x * att_src[None, :, :]).sum(-1)                  # [NF, H]
    a_dst = (x * att_dst[None, :, :]).sum(-1)                  # [NF, H]
    src_e = relation_index[0]
    dst_e = relation_index[1]
    alpha = a_src[src_e] + a_dst[dst_e]                        # [E, H]
    alpha = jax.nn.leaky_relu(alpha, 0.2)
    amax = jax.ops.segment_max(alpha, dst_e, num_segments=NF)
    amax = jnp.where(jnp.isfinite(amax), amax, 0.0)
    ex = jnp.exp(alpha - amax[dst_e])
    denom = jax.ops.segment_sum(ex, dst_e, num_segments=NF)
    coef = ex / (denom[dst_e] + 1e-16)                         # [E, H]
    msgs = x[src_e] * coef[:, :, None]                         # [E, H, 32]
    aggr = jax.ops.segment_sum(msgs, dst_e, num_segments=NF)   # [NF, H, 32]
    msg = aggr.reshape(NF, HEADS * 32) + bias_gat              # [NF, 64]
    # ---- dense bipartite edge set (every sample to every feature) ----
    src = jnp.repeat(jnp.arange(BS), NF)                       # [BS*NF]
    dst = jnp.tile(jnp.arange(NF), BS)                         # [BS*NF]
    h = jnp.concatenate([node_emb[src], msg[dst]], axis=-1)    # [BS*NF, 128]
    # ---- decode MLP with training-mode BatchNorm ----
    h = jax.nn.leaky_relu(_batch_norm(h @ W1 + b1, g1, be1), 0.01)
    h = jax.nn.leaky_relu(_batch_norm(h @ W2 + b2, g2, be2), 0.01)
    h = h @ W3 + b3                                            # [BS*NF, 1]
    return h.reshape(-1, NF)                                   # [BS, NF]

if __name__ == "__main__":
    import jax
    _d = setup_inputs()
    print(jax.jit(kernel)(*tuple(_d.values())))

</pallas_src>

<mosaic_0001>
#map = affine_map<(d0, d1) -> (0)>
#map1 = affine_map<(d0, d1) -> (0, 0, 0)>
module attributes {stable_mosaic.version = 14 : i64} {
  func.func @_gat_sc_body(%arg0: i32, %arg1: i32, %arg2: memref<512xf32, #tpu.memory_space<hbm>>, %arg3: memref<512xf32, #tpu.memory_space<hbm>>, %arg4: memref<8192xi32, #tpu.memory_space<hbm>>, %arg5: memref<8192xi32, #tpu.memory_space<hbm>>, %arg6: memref<8x256x256xf32, #tpu.memory_space<hbm>>, %arg7: memref<512xf32, #tpu.memory_space<vmem>>, %arg8: memref<512xf32, #tpu.memory_space<vmem>>, %arg9: memref<2048xi32, #tpu.memory_space<vmem>>, %arg10: memref<2048xi32, #tpu.memory_space<vmem>>, %arg11: memref<256x256xf32, #tpu.memory_space<vmem>>) attributes {dimension_semantics = [#tpu.dimension_semantics<core_parallel>, #tpu.dimension_semantics<subcore_parallel>], iteration_bounds = array<i64: 2, 16>, scalar_prefetch = 0 : i64, scratch_operands = 5 : i64, tpu.core_type = #tpu.core_type<sc_vector_subcore>, window_params = [{transform_indices = #map}, {transform_indices = #map}, {transform_indices = #map}, {transform_indices = #map}, {transform_indices = #map1}]} {
    %mul3A = arith.constant 2 : i32
    %mul3A_0 = arith.muli %arg1, %mul3A : i32
    %add3A = arith.addi %mul3A_0, %arg0 : i32
    %lt3A = arith.constant 8 : i32
    %lt3A_1 = arith.cmpi slt, %add3A, %lt3A : i32
    %convert_element_type3A = arith.extui %lt3A_1 : i1 to i32
    %cond3A = arith.constant 0 : i32
    %cond3A_2 = arith.cmpi ne, %convert_element_type3A, %cond3A : i32
    scf.if %cond3A_2 {
      %and3A = arith.constant 1 : i32
      %and3A_3 = arith.andi %add3A, %and3A : i32
      %shift_right_arithmetic3A = arith.constant 1 : i32
      %shift_right_arithmetic3A_4 = arith.shrsi %add3A, %shift_right_arithmetic3A : i32
      %mul3A_5 = arith.constant 2048 : i32
      %mul3A_6 = arith.muli %shift_right_arithmetic3A_4, %mul3A_5 : i32
      "tpu.region"() ({
        %run_scoped3A = tpu.sem_alloc : memref<!tpu.dma_semaphore, #tpu.memory_space<semaphore_mem>>
        tpu.enqueue_dma source(%arg2 : memref<512xf32, #tpu.memory_space<hbm>>) target(%arg7 : memref<512xf32, #tpu.memory_space<vmem>>) target_semaphore(%run_scoped3A : memref<!tpu.dma_semaphore, #tpu.memory_space<semaphore_mem>>)
        tpu.wait_dma2 semaphore(%run_scoped3A : memref<!tpu.dma_semaphore, #tpu.memory_space<semaphore_mem>>) src(%arg2 : memref<512xf32, #tpu.memory_space<hbm>>) dst(%arg7 : memref<512xf32, #tpu.memory_space<vmem>>)
        tpu.yield
      }) : () -> ()
      "tpu.region"() ({
        %run_scoped3A = tpu.sem_alloc : memref<!tpu.dma_semaphore, #tpu.memory_space<semaphore_mem>>
        tpu.enqueue_dma source(%arg3 : memref<512xf32, #tpu.memory_space<hbm>>) target(%arg8 : memref<512xf32, #tpu.memory_space<vmem>>) target_semaphore(%run_scoped3A : memref<!tpu.dma_semaphore, #tpu.memory_space<semaphore_mem>>)
        tpu.wait_dma2 semaphore(%run_scoped3A : memref<!tpu.dma_semaphore, #tpu.memory_space<semaphore_mem>>) src(%arg3 : memref<512xf32, #tpu.memory_space<hbm>>) dst(%arg8 : memref<512xf32, #tpu.memory_space<vmem>>)
        tpu.yield
      }) : () -> ()
      "tpu.region"() ({
        %run_scoped3A = tpu.sem_alloc : memref<!tpu.dma_semaphore, #tpu.memory_space<semaphore_mem>>
        %dma_start3A = tpu.memref_slice %arg4[%mul3A_6] : memref<8192xi32, #tpu.memory_space<hbm>> -> memref<2048xi32, #tpu.memory_space<hbm>>
        %dma_start3A_21 = tpu.memref_slice %arg4[%mul3A_6] : memref<8192xi32, #tpu.memory_space<hbm>> -> memref<2048xi32, #tpu.memory_space<hbm>>
        tpu.enqueue_dma source(%dma_start3A_21 : memref<2048xi32, #tpu.memory_space<hbm>>) target(%arg9 : memref<2048xi32, #tpu.memory_space<vmem>>) target_semaphore(%run_scoped3A : memref<!tpu.dma_semaphore, #tpu.memory_space<semaphore_mem>>)
        %dma_wait3A = tpu.memref_slice %arg4[%mul3A_6] : memref<8192xi32, #tpu.memory_space<hbm>> -> memref<2048xi32, #tpu.memory_space<hbm>>
        %dma_wait3A_22 = tpu.memref_slice %arg4[%mul3A_6] : memref<8192xi32, #tpu.memory_space<hbm>> -> memref<2048xi32, #tpu.memory_space<hbm>>
        tpu.wait_dma2 semaphore(%run_scoped3A : memref<!tpu.dma_semaphore, #tpu.memory_space<semaphore_mem>>) src(%dma_wait3A_22 : memref<2048xi32, #tpu.memory_space<hbm>>) dst(%arg9 : memref<2048xi32, #tpu.memory_space<vmem>>)
        tpu.yield
      }) : () -> ()
      "tpu.region"() ({
        %run_scoped3A = tpu.sem_alloc : memref<!tpu.dma_semaphore, #tpu.memory_space<semaphore_mem>>
        %dma_start3A = tpu.memref_slice %arg5[%mul3A_6] : memref<8192xi32, #tpu.memory_space<hbm>> -> memref<2048xi32, #tpu.memory_space<hbm>>
        %dma_start3A_21 = tpu.memref_slice %arg5[%mul3A_6] : memref<8192xi32, #tpu.memory_space<hbm>> -> memref<2048xi32, #tpu.memory_space<hbm>>
        tpu.enqueue_dma source(%dma_start3A_21 : memref<2048xi32, #tpu.memory_space<hbm>>) target(%arg10 : memref<2048xi32, #tpu.memory_space<vmem>>) target_semaphore(%run_scoped3A : memref<!tpu.dma_semaphore, #tpu.memory_space<semaphore_mem>>)
        %dma_wait3A = tpu.memref_slice %arg5[%mul3A_6] : memref<8192xi32, #tpu.memory_space<hbm>> -> memref<2048xi32, #tpu.memory_space<hbm>>
        %dma_wait3A_22 = tpu.memref_slice %arg5[%mul3A_6] : memref<8192xi32, #tpu.memory_space<hbm>> -> memref<2048xi32, #tpu.memory_space<hbm>>
        tpu.wait_dma2 semaphore(%run_scoped3A : memref<!tpu.dma_semaphore, #tpu.memory_space<semaphore_mem>>) src(%dma_wait3A_22 : memref<2048xi32, #tpu.memory_space<hbm>>) dst(%arg10 : memref<2048xi32, #tpu.memory_space<vmem>>)
        tpu.yield
      }) : () -> ()
      %broadcast_in_dim3A = arith.constant 0.000000e+00 : f32
      %broadcast_in_dim3A_7 = vector.broadcast %broadcast_in_dim3A : f32 to vector<16xf32>
      %scan3A = arith.constant 0 : i32
      %scan3A_8 = arith.constant 0 : i32
      %scan3A_9 = arith.constant 256 : i32
      %scan3A_10 = arith.addi %scan3A_8, %scan3A_9 : i32
      %scan3A_11 = arith.constant 1 : i32
      %scan3A_12 = scf.for %scan3A_21 = %scan3A_8 to %scan3A_10 step %scan3A_11 iter_args(%scan3A_22 = %scan3A) -> (i32)  : i32 {
        %swap3A = arith.index_cast %scan3A_21 : i32 to index
        %swap3A_23 = arith.constant 0 : index
        %swap3A_24 = tpu.vector_load %arg11[%swap3A, %swap3A_23] {strides = array<i32>} : memref<256x256xf32, #tpu.memory_space<vmem>>, vector<16xf32>,
        tpu.vector_store %arg11[%swap3A, %swap3A_23], %broadcast_in_dim3A_7 {strides = array<i32>} : memref<256x256xf32, #tpu.memory_space<vmem>>, vector<16xf32>,
        %swap3A_25 = arith.index_cast %scan3A_21 : i32 to index
        %swap3A_26 = arith.constant 16 : index
        %swap3A_27 = tpu.vector_load %arg11[%swap3A_25, %swap3A_26] {strides = array<i32>} : memref<256x256xf32, #tpu.memory_space<vmem>>, vector<16xf32>,
        tpu.vector_store %arg11[%swap3A_25, %swap3A_26], %broadcast_in_dim3A_7 {strides = array<i32>} : memref<256x256xf32, #tpu.memory_space<vmem>>, vector<16xf32>,
        %swap3A_28 = arith.index_cast %scan3A_21 : i32 to index
        %swap3A_29 = arith.constant 32 : index
        %swap3A_30 = tpu.vector_load %arg11[%swap3A_28, %swap3A_29] {strides = array<i32>} : memref<256x256xf32, #tpu.memory_space<vmem>>, vector<16xf32>,
        tpu.vector_store %arg11[%swap3A_28, %swap3A_29], %broadcast_in_dim3A_7 {strides = array<i32>} : memref<256x256xf32, #tpu.memory_space<vmem>>, vector<16xf32>,
        %swap3A_31 = arith.index_cast %scan3A_21 : i32 to index
        %swap3A_32 = arith.constant 48 : index
        %swap3A_33 = tpu.vector_load %arg11[%swap3A_31, %swap3A_32] {strides = array<i32>} : memref<256x256xf32, #tpu.memory_space<vmem>>, vector<16xf32>,
        tpu.vector_store %arg11[%swap3A_31, %swap3A_32], %broadcast_in_dim3A_7 {strides = array<i32>} : memref<256x256xf32, #tpu.memory_space<vmem>>, vector<16xf32>,
        %swap3A_34 = arith.index_cast %scan3A_21 : i32 to index
        %swap3A_35 = arith.constant 64 : index
        %swap3A_36 = tpu.vector_load %arg11[%swap3A_34, %swap3A_35] {strides = array<i32>} : memref<256x256xf32, #tpu.memory_space<vmem>>, vector<16xf32>,
        tpu.vector_store %arg11[%swap3A_34, %swap3A_35], %broadcast_in_dim3A_7 {strides = array<i32>} : memref<256x256xf32, #tpu.memory_space<vmem>>, vector<16xf32>,
        %swap3A_37 = arith.index_cast %scan3A_21 : i32 to index
        %swap3A_38 = arith.constant 80 : index
        %swap3A_39 = tpu.vector_load %arg11[%swap3A_37, %swap3A_38] {strides = array<i32>} : memref<256x256xf32, #tpu.memory_space<vmem>>, vector<16xf32>,
        tpu.vector_store %arg11[%swap3A_37, %swap3A_38], %broadcast_in_dim3A_7 {strides = array<i32>} : memref<256x256xf32, #tpu.memory_space<vmem>>, vector<16xf32>,
        %swap3A_40 = arith.index_cast %scan3A_21 : i32 to index
        %swap3A_41 = arith.constant 96 : index
        %swap3A_42 = tpu.vector_load %arg11[%swap3A_40, %swap3A_41] {strides = array<i32>} : memref<256x256xf32, #tpu.memory_space<vmem>>, vector<16xf32>,
        tpu.vector_store %arg11[%swap3A_40, %swap3A_41], %broadcast_in_dim3A_7 {strides = array<i32>} : memref<256x256xf32, #tpu.memory_space<vmem>>, vector<16xf32>,
        %swap3A_43 = arith.index_cast %scan3A_21 : i32 to index
        %swap3A_44 = arith.constant 112 : index
        %swap3A_45 = tpu.vector_load %arg11[%swap3A_43, %swap3A_44] {strides = array<i32>} : memref<256x256xf32, #tpu.memory_space<vmem>>, vector<16xf32>,
        tpu.vector_store %arg11[%swap3A_43, %swap3A_44], %broadcast_in_dim3A_7 {strides = array<i32>} : memref<256x256xf32, #tpu.memory_space<vmem>>, vector<16xf32>,
        %swap3A_46 = arith.index_cast %scan3A_21 : i32 to index
        %swap3A_47 = arith.constant 128 : index
        %swap3A_48 = tpu.vector_load %arg11[%swap3A_46, %swap3A_47] {strides = array<i32>} : memref<256x256xf32, #tpu.memory_space<vmem>>, vector<16xf32>,
        tpu.vector_store %arg11[%swap3A_46, %swap3A_47], %broadcast_in_dim3A_7 {strides = array<i32>} : memref<256x256xf32, #tpu.memory_space<vmem>>, vector<16xf32>,
        %swap3A_49 = arith.index_cast %scan3A_21 : i32 to index
        %swap3A_50 = arith.constant 144 : index
        %swap3A_51 = tpu.vector_load %arg11[%swap3A_49, %swap3A_50] {strides = array<i32>} : memref<256x256xf32, #tpu.memory_space<vmem>>, vector<16xf32>,
        tpu.vector_store %arg11[%swap3A_49, %swap3A_50], %broadcast_in_dim3A_7 {strides = array<i32>} : memref<256x256xf32, #tpu.memory_space<vmem>>, vector<16xf32>,
        %swap3A_52 = arith.index_cast %scan3A_21 : i32 to index
        %swap3A_53 = arith.constant 160 : index
        %swap3A_54 = tpu.vector_load %arg11[%swap3A_52, %swap3A_53] {strides = array<i32>} : memref<256x256xf32, #tpu.memory_space<vmem>>, vector<16xf32>,
        tpu.vector_store %arg11[%swap3A_52, %swap3A_53], %broadcast_in_dim3A_7 {strides = array<i32>} : memref<256x256xf32, #tpu.memory_space<vmem>>, vector<16xf32>,
        %swap3A_55 = arith.index_cast %scan3A_21 : i32 to index
        %swap3A_56 = arith.constant 176 : index
        %swap3A_57 = tpu.vector_load %arg11[%swap3A_55, %swap3A_56] {strides = array<i32>} : memref<256x256xf32, #tpu.memory_space<vmem>>, vector<16xf32>,
        tpu.vector_store %arg11[%swap3A_55, %swap3A_56], %broadcast_in_dim3A_7 {strides = array<i32>} : memref<256x256xf32, #tpu.memory_space<vmem>>, vector<16xf32>,
        %swap3A_58 = arith.index_cast %scan3A_21 : i32 to index
        %swap3A_59 = arith.constant 192 : index
        %swap3A_60 = tpu.vector_load %arg11[%swap3A_58, %swap3A_59] {strides = array<i32>} : memref<256x256xf32, #tpu.memory_space<vmem>>, vector<16xf32>,
        tpu.vector_store %arg11[%swap3A_58, %swap3A_59], %broadcast_in_dim3A_7 {strides = array<i32>} : memref<256x256xf32, #tpu.memory_space<vmem>>, vector<16xf32>,
        %swap3A_61 = arith.index_cast %scan3A_21 : i32 to index
        %swap3A_62 = arith.constant 208 : index
        %swap3A_63 = tpu.vector_load %arg11[%swap3A_61, %swap3A_62] {strides = array<i32>} : memref<256x256xf32, #tpu.memory_space<vmem>>, vector<16xf32>,
        tpu.vector_store %arg11[%swap3A_61, %swap3A_62], %broadcast_in_dim3A_7 {strides = array<i32>} : memref<256x256xf32, #tpu.memory_space<vmem>>, vector<16xf32>,
        %swap3A_64 = arith.index_cast %scan3A_21 : i32 to index
        %swap3A_65 = arith.constant 224 : index
        %swap3A_66 = tpu.vector_load %arg11[%swap3A_64, %swap3A_65] {strides = array<i32>} : memref<256x256xf32, #tpu.memory_space<vmem>>, vector<16xf32>,
        tpu.vector_store %arg11[%swap3A_64, %swap3A_65], %broadcast_in_dim3A_7 {strides = array<i32>} : memref<256x256xf32, #tpu.memory_space<vmem>>, vector<16xf32>,
        %swap3A_67 = arith.index_cast %scan3A_21 : i32 to index
        %swap3A_68 = arith.constant 240 : index
        %swap3A_69 = tpu.vector_load %arg11[%swap3A_67, %swap3A_68] {strides = array<i32>} : memref<256x256xf32, #tpu.memory_space<vmem>>, vector<16xf32>,
        tpu.vector_store %arg11[%swap3A_67, %swap3A_68], %broadcast_in_dim3A_7 {strides = array<i32>} : memref<256x256xf32, #tpu.memory_space<vmem>>, vector<16xf32>,
        %scan3A_70 = arith.constant 0 : i32
        scf.yield %scan3A_70 : i32
      }
      %scan3A_13 = arith.constant 256 : i32
      %scan3A_14 = arith.constant 0 : i32
      %scan3A_15 = arith.constant 0 : i32
      %scan3A_16 = arith.constant 128 : i32
      %scan3A_17 = arith.addi %scan3A_15, %scan3A_16 : i32
      %scan3A_18 = arith.constant 1 : i32
      %scan3A_19 = scf.for %scan3A_21 = %scan3A_15 to %scan3A_17 step %scan3A_18 iter_args(%scan3A_22 = %scan3A_14) -> (i32)  : i32 {
        %mul3A_23 = arith.constant 16 : i32
        %mul3A_24 = arith.muli %scan3A_21, %mul3A_23 : i32
        %multiple_of3A = tpu.assume_multiple %mul3A_24, 16 : i32
        %get3A = arith.index_cast %multiple_of3A : i32 to index
        %get3A_25 = tpu.vector_load %arg9[%get3A] {strides = array<i32>} : memref<2048xi32, #tpu.memory_space<vmem>>, vector<16xi32>,
        %get3A_26 = arith.index_cast %multiple_of3A : i32 to index
        %get3A_27 = tpu.vector_load %arg10[%get3A_26] {strides = array<i32>} : memref<2048xi32, #tpu.memory_space<vmem>>, vector<16xi32>,
        %mul3A_28 = arith.constant 2 : i32
        %mul3A_29 = vector.broadcast %mul3A_28 : i32 to vector<16xi32>
        %mul3A_30 = arith.muli %get3A_25, %mul3A_29 : vector<16xi32>
        %add3A_31 = vector.broadcast %and3A_3 : i32 to vector<16xi32>
        %add3A_32 = arith.addi %mul3A_30, %add3A_31 : vector<16xi32>
        %gather3A = tpu.vector_load_idx %arg7[%add3A_32] : memref<512xf32, #tpu.memory_space<vmem>>[vector<16xi32>], vector<16xf32>,
        %mul3A_33 = arith.constant 2 : i32
        %mul3A_34 = vector.broadcast %mul3A_33 : i32 to vector<16xi32>
        %mul3A_35 = arith.muli %get3A_27, %mul3A_34 : vector<16xi32>
        %add3A_36 = vector.broadcast %and3A_3 : i32 to vector<16xi32>
        %add3A_37 = arith.addi %mul3A_35, %add3A_36 : vector<16xi32>
        %gather3A_38 = tpu.vector_load_idx %arg8[%add3A_37] : memref<512xf32, #tpu.memory_space<vmem>>[vector<16xi32>], vector<16xf32>,
        %add3A_39 = arith.addf %gather3A, %gather3A_38 : vector<16xf32>
        %gt3A = arith.constant 0.000000e+00 : f32
        %gt3A_40 = vector.broadcast %gt3A : f32 to vector<16xf32>
        %gt3A_41 = arith.cmpf ogt, %add3A_39, %gt3A_40 : vector<16xf32>
        %mul3A_42 = arith.constant 2.000000e-01 : f32
        %mul3A_43 = vector.broadcast %mul3A_42 : f32 to vector<16xf32>
        %mul3A_44 = arith.mulf %add3A_39, %mul3A_43 : vector<16xf32>
        %select_n3A = arith.select %gt3A_41, %add3A_39, %mul3A_44 : vector<16xi1>, vector<16xf32>
        %exp3A = math.exp %select_n3A : vector<16xf32>
        tpu.vector_store_idx %arg11[%get3A_27, %get3A_25], %exp3A {add = true} : memref<256x256xf32, #tpu.memory_space<vmem>>[vector<16xi32>, vector<16xi32>], vector<16xf32>,
        %scan3A_45 = arith.constant 0 : i32
        scf.yield %scan3A_45 : i32
      }
      %scan3A_20 = arith.constant 128 : i32
      "tpu.region"() ({
        %run_scoped3A = tpu.sem_alloc : memref<!tpu.dma_semaphore, #tpu.memory_space<semaphore_mem>>
        %dma_start3A = arith.constant 0 : i32
        %dma_start3A_21 = arith.constant 0 : i32
        %dma_start3A_22 = tpu.memref_slice %arg6[%add3A, %dma_start3A, %dma_start3A_21] : memref<8x256x256xf32, #tpu.memory_space<hbm>> -> memref<1x256x256xf32, #tpu.memory_space<hbm>>
        %dma_start3A_23 = tpu.memref_squeeze %dma_start3A_22 : memref<1x256x256xf32, #tpu.memory_space<hbm>> -> memref<256x256xf32, #tpu.memory_space<hbm>>
        %dma_start3A_24 = arith.constant 0 : i32
        %dma_start3A_25 = arith.constant 0 : i32
        %dma_start3A_26 = tpu.memref_slice %arg6[%add3A, %dma_start3A_24, %dma_start3A_25] : memref<8x256x256xf32, #tpu.memory_space<hbm>> -> memref<1x256x256xf32, #tpu.memory_space<hbm>>
        %dma_start3A_27 = tpu.memref_squeeze %dma_start3A_26 : memref<1x256x256xf32, #tpu.memory_space<hbm>> -> memref<256x256xf32, #tpu.memory_space<hbm>>
        tpu.enqueue_dma source(%arg11 : memref<256x256xf32, #tpu.memory_space<vmem>>) target(%dma_start3A_27 : memref<256x256xf32, #tpu.memory_space<hbm>>) target_semaphore(%run_scoped3A : memref<!tpu.dma_semaphore, #tpu.memory_space<semaphore_mem>>)
        %dma_wait3A = arith.constant 0 : i32
        %dma_wait3A_28 = arith.constant 0 : i32
        %dma_wait3A_29 = tpu.memref_slice %arg6[%add3A, %dma_wait3A, %dma_wait3A_28] : memref<8x256x256xf32, #tpu.memory_space<hbm>> -> memref<1x256x256xf32, #tpu.memory_space<hbm>>
        %dma_wait3A_30 = tpu.memref_squeeze %dma_wait3A_29 : memref<1x256x256xf32, #tpu.memory_space<hbm>> -> memref<256x256xf32, #tpu.memory_space<hbm>>
        %dma_wait3A_31 = arith.constant 0 : i32
        %dma_wait3A_32 = arith.constant 0 : i32
        %dma_wait3A_33 = tpu.memref_slice %arg6[%add3A, %dma_wait3A_31, %dma_wait3A_32] : memref<8x256x256xf32, #tpu.memory_space<hbm>> -> memref<1x256x256xf32, #tpu.memory_space<hbm>>
        %dma_wait3A_34 = tpu.memref_squeeze %dma_wait3A_33 : memref<1x256x256xf32, #tpu.memory_space<hbm>> -> memref<256x256xf32, #tpu.memory_space<hbm>>
        tpu.wait_dma2 semaphore(%run_scoped3A : memref<!tpu.dma_semaphore, #tpu.memory_space<semaphore_mem>>) src(%arg11 : memref<256x256xf32, #tpu.memory_space<vmem>>) dst(%dma_wait3A_34 : memref<256x256xf32, #tpu.memory_space<hbm>>)
        tpu.yield
      }) : () -> ()
    } else {
    }
    return
  }
}

module attributes {stable_mosaic.version = 14 : i64} {
  func.func @_prep_body(%arg0: memref<256x64xf32, #tpu.memory_space<vmem>>, %arg1: memref<64x2xf32, #tpu.memory_space<vmem>>, %arg2: memref<64x2xf32, #tpu.memory_space<vmem>>, %arg3: memref<256x2xf32, #tpu.memory_space<vmem>>, %arg4: memref<256x2xf32, #tpu.memory_space<vmem>>) attributes {dimension_semantics = [], scalar_prefetch = 0 : i64, scratch_operands = 0 : i64, tpu.core_type = #tpu.core_type<tc>} {
    %get3A = arith.constant 0 : index
    %get3A_0 = arith.constant 0 : index
    %get3A_1 = vector.load %arg0[%get3A, %get3A_0] : memref<256x64xf32, #tpu.memory_space<vmem>>, vector<256x64xf32>
    %get3A_2 = arith.constant 0 : index
    %get3A_3 = arith.constant 0 : index
    %get3A_4 = vector.load %arg1[%get3A_2, %get3A_3] : memref<64x2xf32, #tpu.memory_space<vmem>>, vector<64x2xf32>
    %dot_general3A = arith.constant dense<0.000000e+00> : vector<256x2xf32>
    %dot_general3A_5 = tpu.matmul %get3A_1, %get3A_4, %dot_general3A {dimension_numbers = #tpu.dot_dimension_numbers<[1], [0], [0], [1], [0, 0, 1, 1], [], []>, transpose_lhs_hint = false} : vector<256x64xf32>, vector<64x2xf32>, vector<256x2xf32> -> vector<256x2xf32>
    %swap3A = arith.constant 0 : index
    %swap3A_6 = arith.constant 0 : index
    %swap3A_7 = vector.load %arg3[%swap3A, %swap3A_6] : memref<256x2xf32, #tpu.memory_space<vmem>>, vector<256x2xf32>
    tpu.vector_store %arg3[%swap3A, %swap3A_6], %dot_general3A_5 {strides = array<i32>} : memref<256x2xf32, #tpu.memory_space<vmem>>, vector<256x2xf32>,
    %get3A_8 = arith.constant 0 : index
    %get3A_9 = arith.constant 0 : index
    %get3A_10 = vector.load %arg2[%get3A_8, %get3A_9] : memref<64x2xf32, #tpu.memory_space<vmem>>, vector<64x2xf32>
    %dot_general3A_11 = arith.constant dense<0.000000e+00> : vector<256x2xf32>
    %dot_general3A_12 = tpu.matmul %get3A_1, %get3A_10, %dot_general3A_11 {dimension_numbers = #tpu.dot_dimension_numbers<[1], [0], [0], [1], [0, 0, 1, 1], [], []>, transpose_lhs_hint = false} : vector<256x64xf32>, vector<64x2xf32>, vector<256x2xf32> -> vector<256x2xf32>
    %swap3A_13 = arith.constant 0 : index
    %swap3A_14 = arith.constant 0 : index
    %swap3A_15 = vector.load %arg4[%swap3A_13, %swap3A_14] : memref<256x2xf32, #tpu.memory_space<vmem>>, vector<256x2xf32>
    tpu.vector_store %arg4[%swap3A_13, %swap3A_14], %dot_general3A_12 {strides = array<i32>} : memref<256x2xf32, #tpu.memory_space<vmem>>, vector<256x2xf32>,
    return
  }
}

module attributes {stable_mosaic.version = 14 : i64} {
  func.func @_mlp_body(%arg0: i32, %arg1: memref<256x64xf32, #tpu.memory_space<vmem>>, %arg2: memref<64x64xf32, #tpu.memory_space<vmem>>, %arg3: memref<2048x64xf32, #tpu.memory_space<vmem>>, %arg4: memref<64x64xf32, #tpu.memory_space<vmem>>, %arg5: memref<8x256x256xf32, #tpu.memory_space<vmem>>, %arg6: memref<1x64xf32, #tpu.memory_space<vmem>>, %arg7: memref<64x64xf32, #tpu.memory_space<vmem>>, %arg8: memref<1x64xf32, #tpu.memory_space<vmem>>, %arg9: memref<1x64xf32, #tpu.memory_space<vmem>>, %arg10: memref<256x128xbf16, #tpu.memory_space<vmem>>, %arg11: memref<1x32xf32, #tpu.memory_space<vmem>>, %arg12: memref<1x32xf32, #tpu.memory_space<vmem>>, %arg13: memref<128x4xf32, #tpu.memory_space<vmem>>, %arg14: memref<1x1xf32, #tpu.memory_space<vmem>>, %arg15: memref<256x256xf32, #tpu.memory_space<vmem>>, %arg16: memref<2048x256xbf16, #tpu.memory_space<vmem>>, %arg17: memref<64x256xbf16, #tpu.memory_space<vmem>>, %arg18: memref<2x128xf32, #tpu.memory_space<vmem>>, %arg19: memref<256x128xbf16, #tpu.memory_space<vmem>>, %arg20: memref<1x128xf32, #tpu.memory_space<vmem>>) attributes {dimension_semantics = [#tpu.dimension_semantics<arbitrary>], iteration_bounds = array<i64: 16>, scalar_prefetch = 0 : i64, scratch_operands = 5 : i64, tpu.core_type = #tpu.core_type<tc>, window_params = [{pipeline_mode = #tpu.pipeline_mode<synchronous>, transform_indices = @transform_0, window_bounds = array<i64: 256, 64>}, {pipeline_mode = #tpu.pipeline_mode<synchronous>, transform_indices = @transform_1, window_bounds = array<i64: 64, 64>}, {pipeline_mode = #tpu.pipeline_mode<synchronous>, transform_indices = @transform_2, window_bounds = array<i64: 2048, 64>}, {pipeline_mode = #tpu.pipeline_mode<synchronous>, transform_indices = @transform_3, window_bounds = array<i64: 64, 64>}, {pipeline_mode = #tpu.pipeline_mode<synchronous>, transform_indices = @transform_4, window_bounds = array<i64: 8, 256, 256>}, {pipeline_mode = #tpu.pipeline_mode<synchronous>, transform_indices = @transform_5, window_bounds = array<i64: 1, 64>}, {pipeline_mode = #tpu.pipeline_mode<synchronous>, transform_indices = @transform_6, window_bounds = array<i64: 64, 64>}, {pipeline_mode = #tpu.pipeline_mode<synchronous>, transform_indices = @transform_7, window_bounds = array<i64: 1, 64>}, {pipeline_mode = #tpu.pipeline_mode<synchronous>, transform_indices = @transform_8, window_bounds = array<i64: 1, 64>}, {pipeline_mode = #tpu.pipeline_mode<synchronous>, transform_indices = @transform_9, window_bounds = array<i64: 256, 128>}, {pipeline_mode = #tpu.pipeline_mode<synchronous>, transform_indices = @transform_10, window_bounds = array<i64: 1, 32>}, {pipeline_mode = #tpu.pipeline_mode<synchronous>, transform_indices = @transform_11, window_bounds = array<i64: 1, 32>}, {pipeline_mode = #tpu.pipeline_mode<synchronous>, transform_indices = @transform_12, window_bounds = array<i64: 128, 4>}, {pipeline_mode = #tpu.pipeline_mode<synchronous>, transform_indices = @transform_13, window_bounds = array<i64: 1, 1>}, {transform_indices = @transform_14, window_bounds = array<i64: 256, 256>}]} {
    %eq3A = arith.constant 0 : i32
    %eq3A_0 = arith.cmpi eq, %arg0, %eq3A : i32
    %convert_element_type3A = arith.extui %eq3A_0 : i1 to i32
    %cond3A = arith.constant 0 : i32
    %cond3A_1 = arith.cmpi ne, %convert_element_type3A, %cond3A : i32
    scf.if %cond3A_1 {
      %get3A = arith.constant 0 : index
      %get3A_15 = arith.constant 0 : index
      %get3A_16 = arith.constant 0 : index
      %get3A_17 = vector.load %arg5[%get3A, %get3A_15, %get3A_16] : memref<8x256x256xf32, #tpu.memory_space<vmem>>, vector<1x256x256xf32>
      %get3A_18 = vector.shape_cast %get3A_17 : vector<1x256x256xf32> to vector<256x256xf32>
      %get3A_19 = arith.constant 1 : index
      %get3A_20 = arith.constant 0 : index
      %get3A_21 = arith.constant 0 : index
      %get3A_22 = vector.load %arg5[%get3A_19, %get3A_20, %get3A_21] : memref<8x256x256xf32, #tpu.memory_space<vmem>>, vector<1x256x256xf32>
      %get3A_23 = vector.shape_cast %get3A_22 : vector<1x256x256xf32> to vector<256x256xf32>
      %get3A_24 = arith.constant 2 : index
      %get3A_25 = arith.constant 0 : index
      %get3A_26 = arith.constant 0 : index
      %get3A_27 = vector.load %arg5[%get3A_24, %get3A_25, %get3A_26] : memref<8x256x256xf32, #tpu.memory_space<vmem>>, vector<1x256x256xf32>
      %get3A_28 = vector.shape_cast %get3A_27 : vector<1x256x256xf32> to vector<256x256xf32>
      %add3A = arith.addf %get3A_18, %get3A_28 : vector<256x256xf32>
      %get3A_29 = arith.constant 3 : index
      %get3A_30 = arith.constant 0 : index
      %get3A_31 = arith.constant 0 : index
      %get3A_32 = vector.load %arg5[%get3A_29, %get3A_30, %get3A_31] : memref<8x256x256xf32, #tpu.memory_space<vmem>>, vector<1x256x256xf32>
      %get3A_33 = vector.shape_cast %get3A_32 : vector<1x256x256xf32> to vector<256x256xf32>
      %add3A_34 = arith.addf %get3A_23, %get3A_33 : vector<256x256xf32>
      %get3A_35 = arith.constant 4 : index
      %get3A_36 = arith.constant 0 : index
      %get3A_37 = arith.constant 0 : index
      %get3A_38 = vector.load %arg5[%get3A_35, %get3A_36, %get3A_37] : memref<8x256x256xf32, #tpu.memory_space<vmem>>, vector<1x256x256xf32>
      %get3A_39 = vector.shape_cast %get3A_38 : vector<1x256x256xf32> to vector<256x256xf32>
      %add3A_40 = arith.addf %add3A, %get3A_39 : vector<256x256xf32>
      %get3A_41 = arith.constant 5 : index
      %get3A_42 = arith.constant 0 : index
      %get3A_43 = arith.constant 0 : index
      %get3A_44 = vector.load %arg5[%get3A_41, %get3A_42, %get3A_43] : memref<8x256x256xf32, #tpu.memory_space<vmem>>, vector<1x256x256xf32>
      %get3A_45 = vector.shape_cast %get3A_44 : vector<1x256x256xf32> to vector<256x256xf32>
      %add3A_46 = arith.addf %add3A_34, %get3A_45 : vector<256x256xf32>
      %get3A_47 = arith.constant 6 : index
      %get3A_48 = arith.constant 0 : index
      %get3A_49 = arith.constant 0 : index
      %get3A_50 = vector.load %arg5[%get3A_47, %get3A_48, %get3A_49] : memref<8x256x256xf32, #tpu.memory_space<vmem>>, vector<1x256x256xf32>
      %get3A_51 = vector.shape_cast %get3A_50 : vector<1x256x256xf32> to vector<256x256xf32>
      %add3A_52 = arith.addf %add3A_40, %get3A_51 : vector<256x256xf32>
      %get3A_53 = arith.constant 7 : index
      %get3A_54 = arith.constant 0 : index
      %get3A_55 = arith.constant 0 : index
      %get3A_56 = vector.load %arg5[%get3A_53, %get3A_54, %get3A_55] : memref<8x256x256xf32, #tpu.memory_space<vmem>>, vector<1x256x256xf32>
      %get3A_57 = vector.shape_cast %get3A_56 : vector<1x256x256xf32> to vector<256x256xf32>
      %add3A_58 = arith.addf %add3A_46, %get3A_57 : vector<256x256xf32>
      %reduce_sum3A = arith.constant dense<0.000000e+00> : vector<256xf32>
      %reduce_sum3A_59 = vector.multi_reduction <add>, %add3A_52, %reduce_sum3A [1] : vector<256x256xf32> to vector<256xf32>
      %broadcast_in_dim3A = vector.shape_cast %reduce_sum3A_59 : vector<256xf32> to vector<256x1xf32>
      %add3A_60 = arith.constant 1.000000e-16 : f32
      %add3A_61 = vector.broadcast %add3A_60 : f32 to vector<256x1xf32>
      %add3A_62 = arith.addf %broadcast_in_dim3A, %add3A_61 : vector<256x1xf32>
      %reduce_sum3A_63 = arith.constant dense<0.000000e+00> : vector<256xf32>
      %reduce_sum3A_64 = vector.multi_reduction <add>, %add3A_58, %reduce_sum3A_63 [1] : vector<256x256xf32> to vector<256xf32>
      %broadcast_in_dim3A_65 = vector.shape_cast %reduce_sum3A_64 : vector<256xf32> to vector<256x1xf32>
      %add3A_66 = arith.constant 1.000000e-16 : f32
      %add3A_67 = vector.broadcast %add3A_66 : f32 to vector<256x1xf32>
      %add3A_68 = arith.addf %broadcast_in_dim3A_65, %add3A_67 : vector<256x1xf32>
      %get3A_69 = arith.constant 0 : index
      %get3A_70 = arith.constant 0 : index
      %get3A_71 = vector.load %arg1[%get3A_69, %get3A_70] : memref<256x64xf32, #tpu.memory_space<vmem>>, vector<256x64xf32>
      %get3A_72 = arith.constant 0 : index
      %get3A_73 = arith.constant 0 : index
      %get3A_74 = vector.load %arg2[%get3A_72, %get3A_73] : memref<64x64xf32, #tpu.memory_space<vmem>>, vector<64x64xf32>
      %dot_general3A = arith.constant dense<0.000000e+00> : vector<256x64xf32>
      %dot_general3A_75 = tpu.matmul %get3A_71, %get3A_74, %dot_general3A {dimension_numbers = #tpu.dot_dimension_numbers<[1], [0], [0], [1], [0, 0, 1, 1], [], []>, transpose_lhs_hint = false} : vector<256x64xf32>, vector<64x64xf32>, vector<256x64xf32> -> vector<256x64xf32>
      %slice3A = vector.extract_strided_slice %dot_general3A_75 {offsets = [0, 0], sizes = [256, 32], strides = [1, 1]} : vector<256x64xf32> to vector<256x32xf32>
      %dot_general3A_76 = arith.constant dense<0.000000e+00> : vector<256x32xf32>
      %dot_general3A_77 = tpu.matmul %add3A_52, %slice3A, %dot_general3A_76 {dimension_numbers = #tpu.dot_dimension_numbers<[1], [0], [0], [1], [0, 0, 1, 1], [], []>, transpose_lhs_hint = false} : vector<256x256xf32>, vector<256x32xf32>, vector<256x32xf32> -> vector<256x32xf32>
      %div3A = vector.broadcast %add3A_62 : vector<256x1xf32> to vector<256x32xf32>
      %div3A_78 = arith.divf %dot_general3A_77, %div3A : vector<256x32xf32>
      %slice3A_79 = vector.extract_strided_slice %dot_general3A_75 {offsets = [0, 32], sizes = [256, 32], strides = [1, 1]} : vector<256x64xf32> to vector<256x32xf32>
      %dot_general3A_80 = arith.constant dense<0.000000e+00> : vector<256x32xf32>
      %dot_general3A_81 = tpu.matmul %add3A_58, %slice3A_79, %dot_general3A_80 {dimension_numbers = #tpu.dot_dimension_numbers<[1], [0], [0], [1], [0, 0, 1, 1], [], []>, transpose_lhs_hint = false} : vector<256x256xf32>, vector<256x32xf32>, vector<256x32xf32> -> vector<256x32xf32>
      %div3A_82 = vector.broadcast %add3A_68 : vector<256x1xf32> to vector<256x32xf32>
      %div3A_83 = arith.divf %dot_general3A_81, %div3A_82 : vector<256x32xf32>
      %concatenate3A = tpu.concatenate %div3A_78, %div3A_83 in 1 : vector<256x32xf32>, vector<256x32xf32> -> vector<256x64xf32>
      %get3A_84 = arith.constant 0 : index
      %get3A_85 = arith.constant 0 : index
      %get3A_86 = vector.load %arg6[%get3A_84, %get3A_85] : memref<1x64xf32, #tpu.memory_space<vmem>>, vector<1x64xf32>
      %add3A_87 = vector.broadcast %get3A_86 : vector<1x64xf32> to vector<256x64xf32>
      %add3A_88 = arith.addf %concatenate3A, %add3A_87 : vector<256x64xf32>
      %get3A_89 = arith.constant 0 : index
      %get3A_90 = arith.constant 0 : index
      %get3A_91 = vector.load %arg7[%get3A_89, %get3A_90] : memref<64x64xf32, #tpu.memory_space<vmem>>, vector<64x64xf32>
      %dot_general3A_92 = arith.constant dense<0.000000e+00> : vector<256x64xf32>
      %dot_general3A_93 = tpu.matmul %add3A_88, %get3A_91, %dot_general3A_92 {dimension_numbers = #tpu.dot_dimension_numbers<[1], [0], [0], [1], [0, 0, 1, 1], [], []>, transpose_lhs_hint = false} : vector<256x64xf32>, vector<64x64xf32>, vector<256x64xf32> -> vector<256x64xf32>
      %get3A_94 = arith.constant 0 : index
      %get3A_95 = arith.constant 0 : index
      %get3A_96 = vector.load %arg3[%get3A_94, %get3A_95] : memref<2048x64xf32, #tpu.memory_space<vmem>>, vector<2048x64xf32>
      %get3A_97 = arith.constant 0 : index
      %get3A_98 = arith.constant 0 : index
      %get3A_99 = vector.load %arg4[%get3A_97, %get3A_98] : memref<64x64xf32, #tpu.memory_space<vmem>>, vector<64x64xf32>
      %dot_general3A_100 = arith.constant dense<0.000000e+00> : vector<2048x64xf32>
      %dot_general3A_101 = tpu.matmul %get3A_96, %get3A_99, %dot_general3A_100 {dimension_numbers = #tpu.dot_dimension_numbers<[1], [0], [0], [1], [0, 0, 1, 1], [], []>, transpose_lhs_hint = false} : vector<2048x64xf32>, vector<64x64xf32>, vector<2048x64xf32> -> vector<2048x64xf32>
      %reduce_sum3A_102 = arith.constant dense<0.000000e+00> : vector<64xf32>
      %reduce_sum3A_103 = vector.multi_reduction <add>, %dot_general3A_101, %reduce_sum3A_102 [0] : vector<2048x64xf32> to vector<64xf32>
      %broadcast_in_dim3A_104 = vector.shape_cast %reduce_sum3A_103 : vector<64xf32> to vector<1x64xf32>
      %div3A_105 = arith.constant 2.048000e+03 : f32
      %div3A_106 = vector.broadcast %div3A_105 : f32 to vector<1x64xf32>
      %div3A_107 = arith.divf %broadcast_in_dim3A_104, %div3A_106 : vector<1x64xf32>
      %mul3A = arith.mulf %dot_general3A_101, %dot_general3A_101 : vector<2048x64xf32>
      %reduce_sum3A_108 = arith.constant dense<0.000000e+00> : vector<64xf32>
      %reduce_sum3A_109 = vector.multi_reduction <add>, %mul3A, %reduce_sum3A_108 [0] : vector<2048x64xf32> to vector<64xf32>
      %broadcast_in_dim3A_110 = vector.shape_cast %reduce_sum3A_109 : vector<64xf32> to vector<1x64xf32>
      %div3A_111 = arith.constant 2.048000e+03 : f32
      %div3A_112 = vector.broadcast %div3A_111 : f32 to vector<1x64xf32>
      %div3A_113 = arith.divf %broadcast_in_dim3A_110, %div3A_112 : vector<1x64xf32>
      %mul3A_114 = arith.mulf %div3A_107, %div3A_107 : vector<1x64xf32>
      %sub3A = arith.subf %div3A_113, %mul3A_114 : vector<1x64xf32>
      %reduce_sum3A_115 = arith.constant dense<0.000000e+00> : vector<64xf32>
      %reduce_sum3A_116 = vector.multi_reduction <add>, %dot_general3A_93, %reduce_sum3A_115 [0] : vector<256x64xf32> to vector<64xf32>
      %broadcast_in_dim3A_117 = vector.shape_cast %reduce_sum3A_116 : vector<64xf32> to vector<1x64xf32>
      %div3A_118 = arith.constant 2.560000e+02 : f32
      %div3A_119 = vector.broadcast %div3A_118 : f32 to vector<1x64xf32>
      %div3A_120 = arith.divf %broadcast_in_dim3A_117, %div3A_119 : vector<1x64xf32>
      %mul3A_121 = arith.mulf %dot_general3A_93, %dot_general3A_93 : vector<256x64xf32>
      %reduce_sum3A_122 = arith.constant dense<0.000000e+00> : vector<64xf32>
      %reduce_sum3A_123 = vector.multi_reduction <add>, %mul3A_121, %reduce_sum3A_122 [0] : vector<256x64xf32> to vector<64xf32>
      %broadcast_in_dim3A_124 = vector.shape_cast %reduce_sum3A_123 : vector<64xf32> to vector<1x64xf32>
      %div3A_125 = arith.constant 2.560000e+02 : f32
      %div3A_126 = vector.broadcast %div3A_125 : f32 to vector<1x64xf32>
      %div3A_127 = arith.divf %broadcast_in_dim3A_124, %div3A_126 : vector<1x64xf32>
      %mul3A_128 = arith.mulf %div3A_120, %div3A_120 : vector<1x64xf32>
      %sub3A_129 = arith.subf %div3A_127, %mul3A_128 : vector<1x64xf32>
      %add3A_130 = arith.addf %sub3A, %sub3A_129 : vector<1x64xf32>
      %add3A_131 = arith.constant 9.99999974E-6 : f32
      %add3A_132 = vector.broadcast %add3A_131 : f32 to vector<1x64xf32>
      %add3A_133 = arith.addf %add3A_130, %add3A_132 : vector<1x64xf32>
      %rsqrt3A = math.rsqrt %add3A_133 : vector<1x64xf32>
      %get3A_134 = arith.constant 0 : index
      %get3A_135 = arith.constant 0 : index
      %get3A_136 = vector.load %arg8[%get3A_134, %get3A_135] : memref<1x64xf32, #tpu.memory_space<vmem>>, vector<1x64xf32>
      %mul3A_137 = arith.mulf %rsqrt3A, %get3A_136 : vector<1x64xf32>
      %sub3A_138 = vector.broadcast %div3A_107 : vector<1x64xf32> to vector<2048x64xf32>
      %sub3A_139 = arith.subf %dot_general3A_101, %sub3A_138 : vector<2048x64xf32>
      %mul3A_140 = vector.broadcast %mul3A_137 : vector<1x64xf32> to vector<2048x64xf32>
      %mul3A_141 = arith.mulf %sub3A_139, %mul3A_140 : vector<2048x64xf32>
      %sub3A_142 = vector.broadcast %div3A_120 : vector<1x64xf32> to vector<256x64xf32>
      %sub3A_143 = arith.subf %dot_general3A_93, %sub3A_142 : vector<256x64xf32>
      %mul3A_144 = vector.broadcast %mul3A_137 : vector<1x64xf32> to vector<256x64xf32>
      %mul3A_145 = arith.mulf %sub3A_143, %mul3A_144 : vector<256x64xf32>
      %get3A_146 = arith.constant 0 : index
      %get3A_147 = arith.constant 0 : index
      %get3A_148 = vector.load %arg9[%get3A_146, %get3A_147] : memref<1x64xf32, #tpu.memory_space<vmem>>, vector<1x64xf32>
      %add3A_149 = vector.broadcast %get3A_148 : vector<1x64xf32> to vector<256x64xf32>
      %add3A_150 = arith.addf %mul3A_145, %add3A_149 : vector<256x64xf32>
      %concatenate3A_151 = tpu.concatenate %mul3A_141, %mul3A_141, %mul3A_141, %mul3A_141 in 1 : vector<2048x64xf32>, vector<2048x64xf32>, vector<2048x64xf32>, vector<2048x64xf32> -> vector<2048x256xf32>
      %convert_element_type3A_152 = arith.truncf %concatenate3A_151 : vector<2048x256xf32> to vector<2048x256xbf16>
      %swap3A = arith.constant 0 : index
      %swap3A_153 = arith.constant 0 : index
      %swap3A_154 = vector.load %arg16[%swap3A, %swap3A_153] : memref<2048x256xbf16, #tpu.memory_space<vmem>>, vector<2048x256xbf16>
      tpu.vector_store %arg16[%swap3A, %swap3A_153], %convert_element_type3A_152 {strides = array<i32>} : memref<2048x256xbf16, #tpu.memory_space<vmem>>, vector<2048x256xbf16>,
      %slice3A_155 = vector.extract_strided_slice %add3A_150 {offsets = [0, 0], sizes = [64, 64], strides = [1, 1]} : vector<256x64xf32> to vector<64x64xf32>
      %slice3A_156 = vector.extract_strided_slice %add3A_150 {offsets = [64, 0], sizes = [64, 64], strides = [1, 1]} : vector<256x64xf32> to vector<64x64xf32>
      %slice3A_157 = vector.extract_strided_slice %add3A_150 {offsets = [128, 0], sizes = [64, 64], strides = [1, 1]} : vector<256x64xf32> to vector<64x64xf32>
      %slice3A_158 = vector.extract_strided_slice %add3A_150 {offsets = [192, 0], sizes = [64, 64], strides = [1, 1]} : vector<256x64xf32> to vector<64x64xf32>
      %concatenate3A_159 = tpu.concatenate %slice3A_155, %slice3A_156, %slice3A_157, %slice3A_158 in 1 : vector<64x64xf32>, vector<64x64xf32>, vector<64x64xf32>, vector<64x64xf32> -> vector<64x256xf32>
      %convert_element_type3A_160 = arith.truncf %concatenate3A_159 : vector<64x256xf32> to vector<64x256xbf16>
      %swap3A_161 = arith.constant 0 : index
      %swap3A_162 = arith.constant 0 : index
      %swap3A_163 = vector.load %arg17[%swap3A_161, %swap3A_162] : memref<64x256xbf16, #tpu.memory_space<vmem>>, vector<64x256xbf16>
      tpu.vector_store %arg17[%swap3A_161, %swap3A_162], %convert_element_type3A_160 {strides = array<i32>} : memref<64x256xbf16, #tpu.memory_space<vmem>>, vector<64x256xbf16>,
      %broadcast_in_dim3A_164 = arith.constant 0.000000e+00 : f32
      %broadcast_in_dim3A_165 = vector.broadcast %broadcast_in_dim3A_164 : f32 to vector<2x128xf32>
      %swap3A_166 = arith.constant 0 : index
      %swap3A_167 = arith.constant 0 : index
      %swap3A_168 = vector.load %arg18[%swap3A_166, %swap3A_167] : memref<2x128xf32, #tpu.memory_space<vmem>>, vector<2x128xf32>
      tpu.vector_store %arg18[%swap3A_166, %swap3A_167], %broadcast_in_dim3A_165 {strides = array<i32>} : memref<2x128xf32, #tpu.memory_space<vmem>>, vector<2x128xf32>,
    } else {
    }
    %lt3A = arith.constant 8 : i32
    %lt3A_2 = arith.cmpi slt, %arg0, %lt3A : i32
    %convert_element_type3A_3 = arith.extui %lt3A_2 : i1 to i32
    %cond3A_4 = arith.constant 0 : i32
    %cond3A_5 = arith.cmpi ne, %convert_element_type3A_3, %cond3A_4 : i32
    scf.if %cond3A_5 {
      %mul3A = arith.constant 256 : i32
      %mul3A_15 = arith.muli %arg0, %mul3A : i32
      %get3A = arith.index_cast %mul3A_15 : i32 to index
      %get3A_16 = arith.constant 0 : index
      %get3A_17 = vector.load %arg16[%get3A, %get3A_16] : memref<2048x256xbf16, #tpu.memory_space<vmem>>, vector<256x256xbf16>
      %broadcast_in_dim3A = vector.shape_cast %get3A_17 : vector<256x256xbf16> to vector<256x1x256xbf16>
      %get3A_18 = arith.constant 0 : index
      %get3A_19 = arith.constant 0 : index
      %get3A_20 = vector.load %arg17[%get3A_18, %get3A_19] : memref<64x256xbf16, #tpu.memory_space<vmem>>, vector<64x256xbf16>
      %broadcast_in_dim3A_21 = vector.shape_cast %get3A_20 : vector<64x256xbf16> to vector<1x64x256xbf16>
      %add3A = vector.broadcast %broadcast_in_dim3A : vector<256x1x256xbf16> to vector<256x64x256xbf16>
      %add3A_22 = vector.broadcast %broadcast_in_dim3A_21 : vector<1x64x256xbf16> to vector<256x64x256xbf16>
      %add3A_23 = arith.addf %add3A, %add3A_22 : vector<256x64x256xbf16>
      %mul3A_24 = arith.constant 1.000980e-02 : bf16
      %mul3A_25 = vector.broadcast %mul3A_24 : bf16 to vector<256x64x256xbf16>
      %mul3A_26 = arith.mulf %add3A_23, %mul3A_25 : vector<256x64x256xbf16>
      %max3A = arith.maximumf %add3A_23, %mul3A_26 : vector<256x64x256xbf16>
      %reshape3A = vector.shape_cast %max3A : vector<256x64x256xbf16> to vector<16384x256xbf16>
      %get3A_27 = arith.constant 0 : index
      %get3A_28 = arith.constant 0 : index
      %get3A_29 = vector.load %arg10[%get3A_27, %get3A_28] : memref<256x128xbf16, #tpu.memory_space<vmem>>, vector<256x128xbf16>
      %dot_general3A = arith.constant dense<0.000000e+00> : vector<16384x128xf32>
      %dot_general3A_30 = tpu.matmul %reshape3A, %get3A_29, %dot_general3A {dimension_numbers = #tpu.dot_dimension_numbers<[1], [0], [0], [1], [0, 0, 1, 1], [], []>, transpose_lhs_hint = false} : vector<16384x256xbf16>, vector<256x128xbf16>, vector<16384x128xf32> -> vector<16384x128xf32>
      %reduce_sum3A = arith.constant dense<0.000000e+00> : vector<128xf32>
      %reduce_sum3A_31 = vector.multi_reduction <add>, %dot_general3A_30, %reduce_sum3A [0] : vector<16384x128xf32> to vector<128xf32>
      %broadcast_in_dim3A_32 = vector.shape_cast %reduce_sum3A_31 : vector<128xf32> to vector<1x128xf32>
      %mul3A_33 = arith.mulf %dot_general3A_30, %dot_general3A_30 : vector<16384x128xf32>
      %reduce_sum3A_34 = arith.constant dense<0.000000e+00> : vector<128xf32>
      %reduce_sum3A_35 = vector.multi_reduction <add>, %mul3A_33, %reduce_sum3A_34 [0] : vector<16384x128xf32> to vector<128xf32>
      %broadcast_in_dim3A_36 = vector.shape_cast %reduce_sum3A_35 : vector<128xf32> to vector<1x128xf32>
      %get3A_37 = arith.constant 0 : index
      %get3A_38 = arith.constant 0 : index
      %get3A_39 = vector.load %arg18[%get3A_37, %get3A_38] : memref<2x128xf32, #tpu.memory_space<vmem>>, vector<2x128xf32>
      %concatenate3A = tpu.concatenate %broadcast_in_dim3A_32, %broadcast_in_dim3A_36 in 0 : vector<1x128xf32>, vector<1x128xf32> -> vector<2x128xf32>
      %add3A_40 = arith.addf %get3A_39, %concatenate3A : vector<2x128xf32>
      %swap3A = arith.constant 0 : index
      %swap3A_41 = arith.constant 0 : index
      %swap3A_42 = vector.load %arg18[%swap3A, %swap3A_41] : memref<2x128xf32, #tpu.memory_space<vmem>>, vector<2x128xf32>
      tpu.vector_store %arg18[%swap3A, %swap3A_41], %add3A_40 {strides = array<i32>} : memref<2x128xf32, #tpu.memory_space<vmem>>, vector<2x128xf32>,
    } else {
    }
    %eq3A_6 = arith.constant 8 : i32
    %eq3A_7 = arith.cmpi eq, %arg0, %eq3A_6 : i32
    %convert_element_type3A_8 = arith.extui %eq3A_7 : i1 to i32
    %cond3A_9 = arith.constant 0 : i32
    %cond3A_10 = arith.cmpi ne, %convert_element_type3A_8, %cond3A_9 : i32
    scf.if %cond3A_10 {
      %get3A = arith.constant 0 : index
      %get3A_15 = arith.constant 0 : index
      %get3A_16 = vector.load %arg18[%get3A, %get3A_15] : memref<2x128xf32, #tpu.memory_space<vmem>>, vector<2x128xf32>
      %slice3A = vector.extract_strided_slice %get3A_16 {offsets = [0, 0], sizes = [1, 32], strides = [1, 1]} : vector<2x128xf32> to vector<1x32xf32>
      %slice3A_17 = vector.extract_strided_slice %get3A_16 {offsets = [0, 32], sizes = [1, 32], strides = [1, 1]} : vector<2x128xf32> to vector<1x32xf32>
      %add3A = arith.addf %slice3A, %slice3A_17 : vector<1x32xf32>
      %slice3A_18 = vector.extract_strided_slice %get3A_16 {offsets = [0, 64], sizes = [1, 32], strides = [1, 1]} : vector<2x128xf32> to vector<1x32xf32>
      %add3A_19 = arith.addf %add3A, %slice3A_18 : vector<1x32xf32>
      %slice3A_20 = vector.extract_strided_slice %get3A_16 {offsets = [0, 96], sizes = [1, 32], strides = [1, 1]} : vector<2x128xf32> to vector<1x32xf32>
      %add3A_21 = arith.addf %add3A_19, %slice3A_20 : vector<1x32xf32>
      %slice3A_22 = vector.extract_strided_slice %get3A_16 {offsets = [1, 0], sizes = [1, 32], strides = [1, 1]} : vector<2x128xf32> to vector<1x32xf32>
      %slice3A_23 = vector.extract_strided_slice %get3A_16 {offsets = [1, 32], sizes = [1, 32], strides = [1, 1]} : vector<2x128xf32> to vector<1x32xf32>
      %add3A_24 = arith.addf %slice3A_22, %slice3A_23 : vector<1x32xf32>
      %slice3A_25 = vector.extract_strided_slice %get3A_16 {offsets = [1, 64], sizes = [1, 32], strides = [1, 1]} : vector<2x128xf32> to vector<1x32xf32>
      %add3A_26 = arith.addf %add3A_24, %slice3A_25 : vector<1x32xf32>
      %slice3A_27 = vector.extract_strided_slice %get3A_16 {offsets = [1, 96], sizes = [1, 32], strides = [1, 1]} : vector<2x128xf32> to vector<1x32xf32>
      %add3A_28 = arith.addf %add3A_26, %slice3A_27 : vector<1x32xf32>
      %div3A = arith.constant 5.242880e+05 : f32
      %div3A_29 = vector.broadcast %div3A : f32 to vector<1x32xf32>
      %div3A_30 = arith.divf %add3A_21, %div3A_29 : vector<1x32xf32>
      %div3A_31 = arith.constant 5.242880e+05 : f32
      %div3A_32 = vector.broadcast %div3A_31 : f32 to vector<1x32xf32>
      %div3A_33 = arith.divf %add3A_28, %div3A_32 : vector<1x32xf32>
      %mul3A = arith.mulf %div3A_30, %div3A_30 : vector<1x32xf32>
      %sub3A = arith.subf %div3A_33, %mul3A : vector<1x32xf32>
      %get3A_34 = arith.constant 0 : index
      %get3A_35 = arith.constant 0 : index
      %get3A_36 = vector.load %arg11[%get3A_34, %get3A_35] : memref<1x32xf32, #tpu.memory_space<vmem>>, vector<1x32xf32>
      %add3A_37 = arith.constant 9.99999974E-6 : f32
      %add3A_38 = vector.broadcast %add3A_37 : f32 to vector<1x32xf32>
      %add3A_39 = arith.addf %sub3A, %add3A_38 : vector<1x32xf32>
      %rsqrt3A = math.rsqrt %add3A_39 : vector<1x32xf32>
      %mul3A_40 = arith.mulf %get3A_36, %rsqrt3A : vector<1x32xf32>
      %get3A_41 = arith.constant 0 : index
      %get3A_42 = arith.constant 0 : index
      %get3A_43 = vector.load %arg12[%get3A_41, %get3A_42] : memref<1x32xf32, #tpu.memory_space<vmem>>, vector<1x32xf32>
      %mul3A_44 = arith.mulf %div3A_30, %mul3A_40 : vector<1x32xf32>
      %sub3A_45 = arith.subf %get3A_43, %mul3A_44 : vector<1x32xf32>
      %concatenate3A = tpu.concatenate %mul3A_40, %mul3A_40, %mul3A_40, %mul3A_40 in 1 : vector<1x32xf32>, vector<1x32xf32>, vector<1x32xf32>, vector<1x32xf32> -> vector<1x128xf32>
      %get3A_46 = arith.constant 0 : index
      %get3A_47 = arith.constant 0 : index
      %get3A_48 = vector.load %arg10[%get3A_46, %get3A_47] : memref<256x128xbf16, #tpu.memory_space<vmem>>, vector<256x128xbf16>
      %convert_element_type3A_49 = arith.extf %get3A_48 : vector<256x128xbf16> to vector<256x128xf32>
      %mul3A_50 = vector.broadcast %concatenate3A : vector<1x128xf32> to vector<256x128xf32>
      %mul3A_51 = arith.mulf %convert_element_type3A_49, %mul3A_50 : vector<256x128xf32>
      %convert_element_type3A_52 = arith.truncf %mul3A_51 : vector<256x128xf32> to vector<256x128xbf16>
      %swap3A = arith.constant 0 : index
      %swap3A_53 = arith.constant 0 : index
      %swap3A_54 = vector.load %arg19[%swap3A, %swap3A_53] : memref<256x128xbf16, #tpu.memory_space<vmem>>, vector<256x128xbf16>
      tpu.vector_store %arg19[%swap3A, %swap3A_53], %convert_element_type3A_52 {strides = array<i32>} : memref<256x128xbf16, #tpu.memory_space<vmem>>, vector<256x128xbf16>,
      %concatenate3A_55 = tpu.concatenate %sub3A_45, %sub3A_45, %sub3A_45, %sub3A_45 in 1 : vector<1x32xf32>, vector<1x32xf32>, vector<1x32xf32>, vector<1x32xf32> -> vector<1x128xf32>
      %swap3A_56 = arith.constant 0 : index
      %swap3A_57 = arith.constant 0 : index
      %swap3A_58 = vector.load %arg20[%swap3A_56, %swap3A_57] : memref<1x128xf32, #tpu.memory_space<vmem>>, vector<1x128xf32>
      tpu.vector_store %arg20[%swap3A_56, %swap3A_57], %concatenate3A_55 {strides = array<i32>} : memref<1x128xf32, #tpu.memory_space<vmem>>, vector<1x128xf32>,
    } else {
    }
    %ge3A = arith.constant 8 : i32
    %ge3A_11 = arith.cmpi sge, %arg0, %ge3A : i32
    %convert_element_type3A_12 = arith.extui %ge3A_11 : i1 to i32
    %cond3A_13 = arith.constant 0 : i32
    %cond3A_14 = arith.cmpi ne, %convert_element_type3A_12, %cond3A_13 : i32
    scf.if %cond3A_14 {
      %sub3A = arith.constant 8 : i32
      %sub3A_15 = arith.subi %arg0, %sub3A : i32
      %mul3A = arith.constant 256 : i32
      %mul3A_16 = arith.muli %sub3A_15, %mul3A : i32
      %get3A = arith.index_cast %mul3A_16 : i32 to index
      %get3A_17 = arith.constant 0 : index
      %get3A_18 = vector.load %arg16[%get3A, %get3A_17] : memref<2048x256xbf16, #tpu.memory_space<vmem>>, vector<256x256xbf16>
      %broadcast_in_dim3A = vector.shape_cast %get3A_18 : vector<256x256xbf16> to vector<256x1x256xbf16>
      %get3A_19 = arith.constant 0 : index
      %get3A_20 = arith.constant 0 : index
      %get3A_21 = vector.load %arg17[%get3A_19, %get3A_20] : memref<64x256xbf16, #tpu.memory_space<vmem>>, vector<64x256xbf16>
      %broadcast_in_dim3A_22 = vector.shape_cast %get3A_21 : vector<64x256xbf16> to vector<1x64x256xbf16>
      %add3A = vector.broadcast %broadcast_in_dim3A : vector<256x1x256xbf16> to vector<256x64x256xbf16>
      %add3A_23 = vector.broadcast %broadcast_in_dim3A_22 : vector<1x64x256xbf16> to vector<256x64x256xbf16>
      %add3A_24 = arith.addf %add3A, %add3A_23 : vector<256x64x256xbf16>
      %mul3A_25 = arith.constant 1.000980e-02 : bf16
      %mul3A_26 = vector.broadcast %mul3A_25 : bf16 to vector<256x64x256xbf16>
      %mul3A_27 = arith.mulf %add3A_24, %mul3A_26 : vector<256x64x256xbf16>
      %max3A = arith.maximumf %add3A_24, %mul3A_27 : vector<256x64x256xbf16>
      %reshape3A = vector.shape_cast %max3A : vector<256x64x256xbf16> to vector<16384x256xbf16>
      %get3A_28 = arith.constant 0 : index
      %get3A_29 = arith.constant 0 : index
      %get3A_30 = vector.load %arg19[%get3A_28, %get3A_29] : memref<256x128xbf16, #tpu.memory_space<vmem>>, vector<256x128xbf16>
      %dot_general3A = arith.constant dense<0.000000e+00> : vector<16384x128xf32>
      %dot_general3A_31 = tpu.matmul %reshape3A, %get3A_30, %dot_general3A {dimension_numbers = #tpu.dot_dimension_numbers<[1], [0], [0], [1], [0, 0, 1, 1], [], []>, transpose_lhs_hint = false} : vector<16384x256xbf16>, vector<256x128xbf16>, vector<16384x128xf32> -> vector<16384x128xf32>
      %get3A_32 = arith.constant 0 : index
      %get3A_33 = arith.constant 0 : index
      %get3A_34 = vector.load %arg20[%get3A_32, %get3A_33] : memref<1x128xf32, #tpu.memory_space<vmem>>, vector<1x128xf32>
      %add3A_35 = vector.broadcast %get3A_34 : vector<1x128xf32> to vector<16384x128xf32>
      %add3A_36 = arith.addf %dot_general3A_31, %add3A_35 : vector<16384x128xf32>
      %mul3A_37 = arith.constant 0.00999999977 : f32
      %mul3A_38 = vector.broadcast %mul3A_37 : f32 to vector<16384x128xf32>
      %mul3A_39 = arith.mulf %add3A_36, %mul3A_38 : vector<16384x128xf32>
      %max3A_40 = arith.maximumf %add3A_36, %mul3A_39 : vector<16384x128xf32>
      %get3A_41 = arith.constant 0 : index
      %get3A_42 = arith.constant 0 : index
      %get3A_43 = vector.load %arg13[%get3A_41, %get3A_42] : memref<128x4xf32, #tpu.memory_space<vmem>>, vector<128x4xf32>
      %dot_general3A_44 = arith.constant dense<0.000000e+00> : vector<16384x4xf32>
      %dot_general3A_45 = tpu.matmul %max3A_40, %get3A_43, %dot_general3A_44 {dimension_numbers = #tpu.dot_dimension_numbers<[1], [0], [0], [1], [0, 0, 1, 1], [], []>, transpose_lhs_hint = false} : vector<16384x128xf32>, vector<128x4xf32>, vector<16384x4xf32> -> vector<16384x4xf32>
      %get3A_46 = arith.constant 0 : index
      %get3A_47 = arith.constant 0 : index
      %get3A_48 = vector.load %arg14[%get3A_46, %get3A_47] : memref<1x1xf32, #tpu.memory_space<vmem>>, vector<1x1xf32>
      %get3A_49 = vector.extract %get3A_48[0, 0] : f32 from vector<1x1xf32>
      %add3A_50 = vector.broadcast %get3A_49 : f32 to vector<16384x4xf32>
      %add3A_51 = arith.addf %dot_general3A_45, %add3A_50 : vector<16384x4xf32>
      %reshape3A_52 = vector.shape_cast %add3A_51 : vector<16384x4xf32> to vector<256x64x4xf32>
      %transpose3A = tpu.transpose %reshape3A_52, [0, 2, 1] : vector<256x64x4xf32> -> vector<256x4x64xf32>
      %reshape3A_53 = vector.shape_cast %transpose3A : vector<256x4x64xf32> to vector<256x256xf32>
      %swap3A = arith.constant 0 : index
      %swap3A_54 = arith.constant 0 : index
      %swap3A_55 = vector.load %arg15[%swap3A, %swap3A_54] : memref<256x256xf32, #tpu.memory_space<vmem>>, vector<256x256xf32>
      tpu.vector_store %arg15[%swap3A, %swap3A_54], %reshape3A_53 {strides = array<i32>} : memref<256x256xf32, #tpu.memory_space<vmem>>, vector<256x256xf32>,
    } else {
    }
    return
  }
  func.func @transform_0(%arg0: i32) -> (i32, i32) {
    %c0_i32 = arith.constant 0 : i32
    %c0_i32_0 = arith.constant 0 : i32
    %c0_i32_1 = arith.constant 0 : i32
    return %c0_i32, %c0_i32_0 : i32, i32
  }
  func.func @transform_1(%arg0: i32) -> (i32, i32) {
    %c0_i32 = arith.constant 0 : i32
    %c0_i32_0 = arith.constant 0 : i32
    %c0_i32_1 = arith.constant 0 : i32
    return %c0_i32, %c0_i32_0 : i32, i32
  }
  func.func @transform_2(%arg0: i32) -> (i32, i32) {
    %c0_i32 = arith.constant 0 : i32
    %c0_i32_0 = arith.constant 0 : i32
    %c0_i32_1 = arith.constant 0 : i32
    return %c0_i32, %c0_i32_0 : i32, i32
  }
  func.func @transform_3(%arg0: i32) -> (i32, i32) {
    %c0_i32 = arith.constant 0 : i32
    %c0_i32_0 = arith.constant 0 : i32
    %c0_i32_1 = arith.constant 0 : i32
    return %c0_i32, %c0_i32_0 : i32, i32
  }
  func.func @transform_4(%arg0: i32) -> (i32, i32, i32) {
    %c0_i32 = arith.constant 0 : i32
    %c0_i32_0 = arith.constant 0 : i32
    %c0_i32_1 = arith.constant 0 : i32
    %c0_i32_2 = arith.constant 0 : i32
    return %c0_i32, %c0_i32_0, %c0_i32_1 : i32, i32, i32
  }
  func.func @transform_5(%arg0: i32) -> (i32, i32) {
    %c0_i32 = arith.constant 0 : i32
    %c0_i32_0 = arith.constant 0 : i32
    %c0_i32_1 = arith.constant 0 : i32
    return %c0_i32, %c0_i32_0 : i32, i32
  }
  func.func @transform_6(%arg0: i32) -> (i32, i32) {
    %c0_i32 = arith.constant 0 : i32
    %c0_i32_0 = arith.constant 0 : i32
    %c0_i32_1 = arith.constant 0 : i32
    return %c0_i32, %c0_i32_0 : i32, i32
  }
  func.func @transform_7(%arg0: i32) -> (i32, i32) {
    %c0_i32 = arith.constant 0 : i32
    %c0_i32_0 = arith.constant 0 : i32
    %c0_i32_1 = arith.constant 0 : i32
    return %c0_i32, %c0_i32_0 : i32, i32
  }
  func.func @transform_8(%arg0: i32) -> (i32, i32) {
    %c0_i32 = arith.constant 0 : i32
    %c0_i32_0 = arith.constant 0 : i32
    %c0_i32_1 = arith.constant 0 : i32
    return %c0_i32, %c0_i32_0 : i32, i32
  }
  func.func @transform_9(%arg0: i32) -> (i32, i32) {
    %c0_i32 = arith.constant 0 : i32
    %c0_i32_0 = arith.constant 0 : i32
    %c0_i32_1 = arith.constant 0 : i32
    return %c0_i32, %c0_i32_0 : i32, i32
  }
  func.func @transform_10(%arg0: i32) -> (i32, i32) {
    %c0_i32 = arith.constant 0 : i32
    %c0_i32_0 = arith.constant 0 : i32
    %c0_i32_1 = arith.constant 0 : i32
    return %c0_i32, %c0_i32_0 : i32, i32
  }
  func.func @transform_11(%arg0: i32) -> (i32, i32) {
    %c0_i32 = arith.constant 0 : i32
    %c0_i32_0 = arith.constant 0 : i32
    %c0_i32_1 = arith.constant 0 : i32
    return %c0_i32, %c0_i32_0 : i32, i32
  }
  func.func @transform_12(%arg0: i32) -> (i32, i32) {
    %c0_i32 = arith.constant 0 : i32
    %c0_i32_0 = arith.constant 0 : i32
    %c0_i32_1 = arith.constant 0 : i32
    return %c0_i32, %c0_i32_0 : i32, i32
  }
  func.func @transform_13(%arg0: i32) -> (i32, i32) {
    %c0_i32 = arith.constant 0 : i32
    %c0_i32_0 = arith.constant 0 : i32
    %c0_i32_1 = arith.constant 0 : i32
    return %c0_i32, %c0_i32_0 : i32, i32
  }
  func.func @transform_14(%arg0: i32) -> (i32, i32) {
    %sub3A = arith.constant 8 : i32
    %sub3A_0 = arith.subi %arg0, %sub3A : i32
    %max3A = arith.constant 0 : i32
    %max3A_1 = arith.maxsi %sub3A_0, %max3A : i32
    %c0_i32 = arith.constant 0 : i32
    %c0_i32_2 = arith.constant 0 : i32
    return %max3A_1, %c0_i32 : i32, i32
  }
}

</mosaic_0001>

<sc_bundles>
// kernel: kernel.5.cloned.1.call-start
scs
__scs_entry_jumppad:
0x0: {  	(pc) =	sbr.rel $0x88, $3  }
0x1: {  	(tag) =	ssettag $0x0;
	lr =	simm.s32 $0x1  }
0x2: {  	[smem:$0x3F92] =	sst lr;
	_ =	strace $0xD0000000  }
0x3: {  	_ = 	snop  }
0x4: {  	_ = 	snop  }
0x5: {  	_ = 	snop  }
0x6: {  	_ = 	snop  }
0x7: {  	_ = 	snop  }
__scs_overlays_trampoline_lowered:
0x8: {  	[smem:$0x3FA1] =	sst s0  }
0x9: {  	[smem:$0x3FA2] =	sst s1  }
0xa: {  	[smem:$0x3FA3] =	sst s2  }
0xb: {  	[smem:$0x3FA4] =	sst s3  }
0xc: {  	[smem:$0x3FA5] =	sst s4  }
0xd: {  	[smem:$0x3FA6] =	sst s5  }
0xe: {  	[smem:$0x3FA7] =	sst s6  }
0xf: {  	[smem:$0x3FA8] =	sst s7  }
0x10: {  	[smem:$0x3FA9] =	sst s8  }
0x11: {  	[smem:$0x3FAA] =	sst s9;
	s0 =	simm.s32 @!p0 $0x0  }
0x12: {  	s1 =	sld [smem:$0x3F90];
	s0 =	simm.s32 @p0 $0x1  }
0x13: {  	[smem:$0x3FAB] =	sst s0;
	s0 =	simm.s32 @!p1 $0x0  }
0x14: {  	s2 =	sld [smem:$0x3F8F];
	s0 =	simm.s32 @p1 $0x1  }
0x15: {  	[smem:$0x3FAC] =	sst s0;
	s0 =	simm.s32 @!p2 $0x0  }
0x16: {  	s3 =	sld [smem:$0x3FDB];
	s0 =	simm.s32 @p2 $0x1  }
0x17: {  	s4 =	simm.s32 $0x1BF5;
	[smem:$0x3FAE] =	sst s0  }
0x18: {  	s0 =	sld [smem:$0x3F91];
	_ =	swait.ge [sflag:s4], $0x0  }
0x19: {  	s7 =	sld [smem:$0x3F92]  }
0x1a: {  	s8 =	sadd.s32 $0xFFFFE003, lr  }
0x1b: {  	s9 =	sadd.s32 $0xFFFFFEF7, lr;
	s5 =	simm.s32 $0xFFFFFFFF;
	p2 =	slt.u32 s8, $0xFFFFF086  }
0x1c: {  	p1 =	slt.u32 s9, $0xF7A;
	s5 =	simm.s32 @!p2 $0x0  }
0x1d: {  	s5 =	simm.s32 @p1 $0x1;
	p0 =	seq.s32 s7, s2  }
0x1e: {  	s7 =	smul.u32 @!p0 $0xF7A, s2;
	p2 =	seq.s32 @!p0 s5, $0x0  }
0x1f: {  	s9 =	smul.u32 $0xF7A, s1;
	s8 =	simm.s32 @!p0 $0x1BF5;
	p2 =	por !p2, p0  }
0x20: {  	[sflag:s8] =	ssyncset.s32 @!p0 $0xFFFFF086;
	s6 =	sadd.s32 @!p0 s3, s7;
	s7 =	simm.s32 @!p0 $0x108  }
0x21: {  	s3 =	sadd.s32 s3, s9;
	s6 =	sadd.s32 @!p0 $0x88, s6;
	s7 =	simm.s32 @p2 $0x1082  }
0x22: {  	[simem:s7], [sflag:s8] =	dma.local @!p0 [hbm:s6], $0xF7A  }
0x23: {  	s9 =	sor.u32 $0xD0000000, s2;
	s6 =	simm.s32 $0x108;
	_ =	swait.ge @!p0 [sflag:s8], $0x0  }
0x24: {  	s3 =	sadd.s32 $0x88, s3;
	s6 =	simm.s32 @!p1 $0x1082;
	[sflag:s4] =	ssyncset.s32 $0xFFFFF086  }
0x25: {  	[simem:s6], [sflag:s4] =	dma.local [hbm:s3], $0xF7A  }
0x26: {  	[smem:$0x3F92] =	sst s1;
	(tag) =	ssettag s2;
	_ =	strace s9  }
0x27: {  	s1 =	sld [smem:$0x3FA2]  }
0x28: {  	s2 =	sld [smem:$0x3FA3]  }
0x29: {  	s4 =	sld [smem:$0x3FA5]  }
0x2a: {  	p0 =	seq.s32 s5, $0x0;
	s5 =	sld [smem:$0x3FA6]  }
0x2b: {  	s6 =	sld [smem:$0x3FA7]  }
0x2c: {  	s7 =	sld [smem:$0x3FA8]  }
0x2d: {  	s3 =	simm.s32 $0x108;
	s8 =	sld [smem:$0x3FA9]  }
0x2e: {  	s3 =	simm.s32 @!p0 $0x1082;
	s9 =	sld [smem:$0x3FAA]  }
0x2f: {  	lr =	sadd.s32 s0, s3;
	s0 =	sld [smem:$0x3FA1]  }
0x30: {  	s3 =	sld [smem:$0x3FA4]  }
0x31: {  	[smem:$0x3FAD] =	sst s10  }
0x32: {  	s10 =	sld [smem:$0x3FAB];
	_ =	sdelay $0x3  }
0x33: {  	p0 =	seq.s32 s10, $0x1;
	s10 =	sld [smem:$0x3FAD];
	_ =	sdelay $0x3  }
0x34: {  	[smem:$0x3FAD] =	sst s10  }
0x35: {  	s10 =	sld [smem:$0x3FAC];
	_ =	sdelay $0x3  }
0x36: {  	p1 =	seq.s32 s10, $0x1;
	s10 =	sld [smem:$0x3FAD];
	_ =	sdelay $0x3  }
0x37: {  	[smem:$0x3FAD] =	sst s10  }
0x38: {  	s10 =	sld [smem:$0x3FAE]  }
0x39: {  	_ = 	snop;
	(pc) =	sbr.ind lr, $3  }
0x3a: {  	_ = 	snop  }
0x3b: {  	_ = 	snop  }
0x3c: {  	p2 =	seq.s32 s10, $0x1;
	s10 =	sld [smem:$0x3FAD]  }
0x3d: {  	_ =	shalt  }
0x3e: {  	_ =	shalt  }
0x3f: {  	_ =	shalt  }
0x40: {  	_ =	shalt  }
0x41: {  	_ =	shalt  }
0x42: {  	_ =	shalt  }
0x43: {  	_ =	shalt  }
0x44: {  	_ =	shalt  }
0x45: {  	_ =	shalt  }
0x46: {  	_ =	shalt  }
0x47: {  	_ =	shalt  }
0x48: {  	_ =	shalt  }
0x49: {  	_ =	shalt  }
0x4a: {  	_ =	shalt  }
0x4b: {  	_ =	shalt  }
0x4c: {  	_ =	shalt  }
0x4d: {  	_ =	shalt  }
0x4e: {  	_ =	shalt  }
0x4f: {  	_ =	shalt  }
0x50: {  	_ =	shalt  }
0x51: {  	_ =	shalt  }
0x52: {  	_ =	shalt  }
0x53: {  	_ =	shalt  }
0x54: {  	_ =	shalt  }
0x55: {  	_ =	shalt  }
0x56: {  	_ =	shalt  }
0x57: {  	_ =	shalt  }
0x58: {  	_ =	shalt  }
0x59: {  	_ =	shalt  }
0x5a: {  	_ =	shalt  }
0x5b: {  	_ =	shalt  }
0x5c: {  	_ =	shalt  }
0x5d: {  	_ =	shalt  }
0x5e: {  	_ =	shalt  }
0x5f: {  	_ =	shalt  }
0x60: {  	_ =	shalt  }
0x61: {  	_ =	shalt  }
0x62: {  	_ =	shalt  }
0x63: {  	_ =	shalt  }
0x64: {  	_ =	shalt  }
0x65: {  	_ =	shalt  }
0x66: {  	_ =	shalt  }
0x67: {  	_ =	shalt  }
0x68: {  	_ =	shalt  }
0x69: {  	_ =	shalt  }
0x6a: {  	_ =	shalt  }
0x6b: {  	_ =	shalt  }
0x6c: {  	_ =	shalt  }
0x6d: {  	_ =	shalt  }
0x6e: {  	_ =	shalt  }
0x6f: {  	_ =	shalt  }
0x70: {  	_ =	shalt  }
0x71: {  	_ =	shalt  }
0x72: {  	_ =	shalt  }
0x73: {  	_ =	shalt  }
0x74: {  	_ =	shalt  }
0x75: {  	_ =	shalt  }
0x76: {  	_ =	shalt  }
0x77: {  	_ =	shalt  }
0x78: {  	_ =	shalt  }
0x79: {  	_ =	shalt  }
0x7a: {  	_ =	shalt  }
0x7b: {  	_ =	shalt  }
0x7c: {  	_ =	shalt  }
0x7d: {  	_ =	shalt  }
0x7e: {  	_ =	shalt  }
0x7f: {  	_ =	shalt  }
0x80: {  	_ =	shalt  }
0x81: {  	_ =	shalt  }
0x82: {  	_ =	shalt  }
0x83: {  	_ =	shalt  }
0x84: {  	_ =	shalt  }
0x85: {  	_ =	shalt  }
0x86: {  	_ =	shalt  }
0x87: {  	_ =	shalt  }
.Lfunc_end0:
.L_simem_size_0:
called_computation_lowered:
.L_overlay_start_0:
0x88: {  	s2 =	sld [smem:$0x3FD9]  }
0x89: {  	s3 =	sld [smem:$0x3FFE];
	_ =	sdelay $0x1  }
0x8a: {  	s1 =	srdreg.scid  }
0x8b: {  	s0 =	sand.u32 $0x1, s1  }
0x8c: {  	s17 =	sshll.u32 s0, $0xA;
	s2 =	sadd.s32 s3, s2  }
0x8d: {  	s2 =	sadd.s32 s2, s17  }
0x8e: {  	[smem:$0x3FB9] =	sst s2  }
0x8f: {  	_ = 	snop  }
0x90: {  	s2 =	sld [smem:$0x3FD0];
	(tm) =	ssettm $0x1  }
0x91: {  	s18 =	sld [smem:$0x3FFB];
	_ =	sdelay $0x3  }
0x92: {  	_ =	strace s18  }
0x93: {  	s3 =	sld [smem:$0x3FFC];
	_ =	sdelay $0x3  }
0x94: {  	_ =	strace s3  }
0x95: {  	s3 =	sld [smem:$0x3FFD];
	_ =	sdelay $0x3  }
0x96: {  	_ =	strace s3  }
0x97: {  	_ =	strace $0x8FFFFFFF  }
0x98: {  	s19 =	sld [smem:$0x3FDB];
	_ =	sdelay $0x1  }
0x99: {  	s4 =	simm.s32 $_scs_section_size  }
0x9a: {  	s5 =	simm.s32 $_size__tile_overlayer_lowered;
	s6 =	simm.s32 $_tile_overlayer_lowered  }
0x9b: {  	s22 =	simm.s32 $0x1BFF;
	s21 =	sshll.u32 s6, $0x1;
	s3 =	sadd.s32 s4, s19  }
0x9c: {  	s7 =	simm.s32 $0x0;
	s20 =	sshll.u32 s5, $0x1;
	s5 =	sadd.s32 s21, s3  }
0x9d: {  	[timem:s7], [sflag:s22] =	dma.local [hbm:s5], s20  }
0x9e: {  	_ =	swait.ge [sflag:s22], s20  }
0x9f: {  	s4 =	ssub.s32 $0x0, s20;
	[sflag:s22] =	ssyncset.done $0x0  }
0xa0: {  	[sflag:s22] =	ssyncadd.s32 s4;
	_ =	sdelay $0x1  }
0xa1: {  	s23 =	simm.s32 $0x1B8B  }
0xa2: {  	_ =	swait.ge [sflag:s23], $0x1  }
0xa3: {  	[sflag:s23] =	ssyncset.done $0x0  }
0xa4: {  	s25 =	simm.s32 $0x1B8E;
	s24 =	sld [smem:$0x3FFE];
	[sflag:s23] =	ssyncadd.s32 $0xFFFFFFFF  }
0xa5: {  	s26 =	simm.s32 $execute0_lowered;
	[smem:$0x3FD2] =	sst s25  }
0xa6: {  	s5 =	sshll.u32 s26, $0x1;
	_ =	strace $0x80000046;
	[dreg:$0x1] =	wrdreg $0xFFFFFFFF  }
0xa7: {  	s28 =	simm.s32 $_size_execute0_lowered;
	s3 =	sadd.s32 s3, s5;
	[dreg:$0x0] =	wrdreg $0x0  }
0xa8: {  	s5 =	sshll.u32 s28, $0x1;
	[dreg:$0x2] =	wrdreg s3  }
0xa9: {  	[dreg:$0x3] =	wrdreg s5  }
0xaa: {  	[dreg:$0x4] =	wrdreg $0xC0  }
0xab: {  	_ =	task [dreg:s7], $0x5FFFF  }
0xac: {  	[dreg:$0x1] =	wrdreg $0xFFFFFFFF  }
0xad: {  	[dreg:$0x0] =	wrdreg $0x60  }
0xae: {  	[dreg:$0x2] =	wrdreg s24  }
0xaf: {  	[dreg:$0x3] =	wrdreg s2  }
0xb0: {  	[dreg:$0x4] =	wrdreg $0x9  }
0xb1: {  	_ =	task.clear_ibuf [dreg:s7], $0x5FFFF;
	_ =	strace $0x90000046  }
0xb2: {  	s29 =	simm.s32 $0x9;
	_ =	strace $0x80000048  }
0xb3: {  	_ =	swait.ge [sflag:s29], $0x1  }
0xb4: {  	[sflag:s29] =	ssyncadd.s32 $0xFFFFFFFF  }
0xb5: {  	_ =	strace $0x90000048  }
0xb6: {  	_ =	sfence  }
0xb7: {  	s30 =	sld [smem:$0x0];
	_ =	sdelay $0x2  }
0xb8: {  	s31 =	sshll.u32 s1, $0xD;
	s1 =	sshrl.u32 s1, $0x2  }
0xb9: {  	s3 =	sand.u32 $0x4000, s31;
	s1 =	sadd.s32 s1, s30  }
0xba: {  	s0 =	sor.u32 s3, s0;
	s1 =	sshll.u32 s1, $0x11  }
0xbb: {  	s0 =	sor.u32 s1, s0  }
0xbc: {  	s0 =	sadd.s32 $0x8F2B, s0  }
0xbd: {  	[sflag:s0] =	ssyncadd.remote.s32 $0x1  }
0xbe: {  	_ =	sfence.sel $0xFFFF  }
0xbf: {  	[dreg:$0x0] =	wrdreg $0xFFFFFFFF;
	(pc) =	sbr.abs _section_cstart, $3  }
0xc0: {  	[dreg:$0x1] =	wrdreg $0xFFFFFFFF  }
0xc1: {  	_ =	task.clear_ibuf [dreg:s7], $0x2FFFF;
	_ =	strace $0x9FFFFFFF  }
0xc2: {  	(tm) =	ssettm $0x7FFFFFFF  }
0xc3: {  	_ =	shalt  }
tec
execute0_lowered:
.L_overlay_start_1:
0x0: {  	(tag) =	ssettag $0x1  }
0x1: {  	s1 =	stileid.u32  }
0x2: {  	p0 =	sgt.u32 s1, $0x3  }
.Ltmp0:
0x3: {  	_ = 	snop;
	(pc) =	sbr.rel @p0 .LBB2_7-.Ltmp0, $4  }
0x4: {  	s5 =	rddreg [dreg:$0x0]  }
0x5: {  	s6 =	rddreg [dreg:$0x1];
	s2 =	simm.s32 $0x0  }
0x6: {  	[smem:$0x7FF] =	sst s2  }
0x7: {  	s0 =	rddreg [dreg:$0x2];
	_ =	strace $0x80000047  }
0x8: {  	s4 =	srdreg.scid  }
0x9: {  	s3 =	sadd.s32 $0x2E00, s5;
	s7 =	sshll.u32 s1, $0x8;
	s11 =	sshll.u32 s1, $0xE  }
0xa: {  	s13 =	simm.s32 $0x1400;
	s14 =	simm.s32 $0x0;
	s12 =	sand.u32 $0x1, s4  }
0xb: {  	s4 =	sadd.s32 $0x3000, s5;
	s7 =	sadd.s32 s7, s5;
	s8 =	ssub.s32 $0x2, s12  }
0xc: {  	s5 =	sadd.s32 $0x2A00, s7;
	s9 =	sshll.u32 s12, $0xD;
	v0 =	vmov s12;
	s12 =	simm.s32 $0xC00  }
0xd: {  	s10 =	sshrl.u32 s8, $0x1;
	s9 =	sadd.s32 s6, s9;
	s6 =	sadd.s32 $0x2600, s7  }
0xe: {  	s8 =	ssub.s32 s8, s10;
	s7 =	sadd.s32 s11, s9;
	s9 =	simm.s32 $0x1  }
0xf: {  	v1 =	vimm.f32 $0.0e+00;
	s10 =	simm.s32 $0x200;
	s11 =	simm.s32 $0x400;
	s8 =	smax.u32 s8, $0x1  }
.LBB2_2:
0x10: {  	s15 =	simm.s32 $0x0  }
0x11: {  	[tilespmem:s15], [sflag:$0x1] =	stream.linear.gather [hbm4b:s3+s15], $0x200, $0x38;
	[tilespmem:$0x11400] =	vst v63  }
0x12: {  	_ =	swait.ge [sflag:s9], $0x200  }
0x13: {  	[sflag:s9] =	ssyncset.done $0x0  }
0x14: {  	[sflag:s9] =	ssyncadd.s32 $0xFFFFFE00  }
0x15: {  	[tilespmem:s10], [sflag:$0x1] =	stream.linear.gather [hbm4b:s4+s15], $0x200, $0x38;
	[tilespmem:$0x11400] =	vst v63  }
0x16: {  	_ =	swait.ge [sflag:s9], $0x200  }
0x17: {  	[sflag:s9] =	ssyncset.done $0x0  }
0x18: {  	[sflag:s9] =	ssyncadd.s32 $0xFFFFFE00  }
0x19: {  	[tilespmem:s11], [sflag:$0x1] =	stream.linear.gather [hbm4b:s5+s15], $0x800, $0x38;
	[tilespmem:$0x11400] =	vst v63  }
0x1a: {  	_ =	swait.ge [sflag:s9], $0x800  }
0x1b: {  	[sflag:s9] =	ssyncset.done $0x0  }
0x1c: {  	[sflag:s9] =	ssyncadd.s32 $0xFFFFF800  }
0x1d: {  	[tilespmem:s12], [sflag:$0x1] =	stream.linear.gather [hbm4b:s6+s15], $0x800, $0x38;
	[tilespmem:$0x11400] =	vst v63  }
0x1e: {  	_ =	swait.ge [sflag:s9], $0x800  }
0x1f: {  	s16 =	sand.u32 $0xF800, s15;
	s15 =	sand.u32 $0x380, s15;
	[sflag:s9] =	ssyncset.done $0x0  }
0x20: {  	s15 =	sor.u32 s15, s16;
	[sflag:s9] =	ssyncadd.s32 $0xFFFFF800  }
0x21: {  	[tilespmem:s15+$0x1870] =	vst v1  }
0x22: {  	[tilespmem:s15+$0x1400] =	vst v1  }
0x23: {  	[tilespmem:s15+$0x1410] =	vst v1  }
0x24: {  	[tilespmem:s15+$0x1420] =	vst v1  }
0x25: {  	[tilespmem:s15+$0x1430] =	vst v1  }
0x26: {  	[tilespmem:s15+$0x1440] =	vst v1  }
0x27: {  	[tilespmem:s15+$0x1450] =	vst v1  }
0x28: {  	[tilespmem:s15+$0x1460] =	vst v1  }
0x29: {  	[tilespmem:s15+$0x1470] =	vst v1  }
0x2a: {  	[tilespmem:s15+$0x1800] =	vst v1  }
0x2b: {  	[tilespmem:s15+$0x1810] =	vst v1  }
0x2c: {  	[tilespmem:s15+$0x1820] =	vst v1  }
0x2d: {  	[tilespmem:s15+$0x1830] =	vst v1  }
0x2e: {  	s17 =	simm.s32 $0x100;
	s16 =	simm.s32 $0x80;
	[tilespmem:s15+$0x1840] =	vst v1  }
0x2f: {  	s18 =	sand.u32 $0xF800, s17;
	s17 =	simm.s32 $0x200;
	s19 =	sand.u32 $0x380, s16;
	[tilespmem:s15+$0x1850] =	vst v1  }
.LBB2_3:
0x30: {  	p0 =	sne.s32 s17, $0xFF00;
	[tilespmem:s15+$0x1860] =	vst v1;
	s15 =	sor.u32 s19, s18  }
0x31: {  	[tilespmem:s15+$0x1870] =	vst v1  }
0x32: {  	[tilespmem:s15+$0x1400] =	vst v1  }
0x33: {  	[tilespmem:s15+$0x1410] =	vst v1  }
0x34: {  	[tilespmem:s15+$0x1420] =	vst v1  }
0x35: {  	[tilespmem:s15+$0x1430] =	vst v1  }
0x36: {  	[tilespmem:s15+$0x1440] =	vst v1  }
0x37: {  	[tilespmem:s15+$0x1450] =	vst v1  }
0x38: {  	[tilespmem:s15+$0x1460] =	vst v1  }
0x39: {  	[tilespmem:s15+$0x1470] =	vst v1  }
0x3a: {  	[tilespmem:s15+$0x1800] =	vst v1  }
.Ltmp1:
0x3b: {  	[tilespmem:s15+$0x1810] =	vst v1;
	(pc) =	sbr.rel @p0 .LBB2_3-.Ltmp1, $4  }
0x3c: {  	[tilespmem:s15+$0x1820] =	vst v1  }
0x3d: {  	[tilespmem:s15+$0x1830] =	vst v1  }
0x3e: {  	s16 =	sadd.s32 $0x80, s16;
	[tilespmem:s15+$0x1840] =	vst v1  }
0x3f: {  	s18 =	sand.u32 $0xF800, s17;
	s17 =	sadd.s32 $0x100, s17;
	s19 =	sand.u32 $0x380, s16;
	[tilespmem:s15+$0x1850] =	vst v1  }
0x40: {  	s16 =	sor.u32 s19, s18;
	[tilespmem:s15+$0x1860] =	vst v1  }
0x41: {  	[tilespmem:s16+$0x1870] =	vst v1  }
0x42: {  	[tilespmem:s16+$0x1400] =	vst v1  }
0x43: {  	[tilespmem:s16+$0x1410] =	vst v1  }
0x44: {  	[tilespmem:s16+$0x1420] =	vst v1  }
0x45: {  	[tilespmem:s16+$0x1430] =	vst v1  }
0x46: {  	[tilespmem:s16+$0x1440] =	vst v1  }
0x47: {  	[tilespmem:s16+$0x1450] =	vst v1  }
0x48: {  	[tilespmem:s16+$0x1460] =	vst v1  }
0x49: {  	[tilespmem:s16+$0x1470] =	vst v1  }
0x4a: {  	[tilespmem:s16+$0x1800] =	vst v1  }
0x4b: {  	[tilespmem:s16+$0x1810] =	vst v1  }
0x4c: {  	[tilespmem:s16+$0x1820] =	vst v1  }
0x4d: {  	[tilespmem:s16+$0x1830] =	vst v1  }
0x4e: {  	[tilespmem:s16+$0x1840] =	vst v1  }
0x4f: {  	[tilespmem:s16+$0x1850] =	vst v1  }
0x50: {  	[tilespmem:s16+$0x1860] =	vst v1;
	s16 =	simm.s32 $0x0  }
0x51: {  	s15 =	simm.s32 $0x40;
	v2 =	vld [tilespmem:s16+$0x400]  }
.LBB2_5:
0x52: {  	p0 =	sne.s32 s15, $0x1FC0;
	v3 =	vld [tilespmem:s16+$0xC00];
	_ =	sdelay $0x3  }
0x53: {  	v4 =	vshll.u32 v2, $0x1  }
0x54: {  	v4 =	vor.u32 v0, v4;
	v5 =	vshll.u32 v3, $0x1  }
0x55: {  	v5 =	vor.u32 v0, v5;
	_ =	sdelay $0x3  }
0x56: {  	v4 =	vld.idx.msk [tilespmem:v4+s2+$0x0], $0xffff  }
0x57: {  	v5 =	vld.idx.msk [tilespmem:v5+s10+$0x0], $0xffff;
	_ =	sdelay $0x5  }
0x58: {  	v4 =	vadd.f32 v5, v4;
	_ =	sdelay $0x1  }
0x59: {  	v5 =	vmul.f32 $2.000000030e-01, v4  }
0x5a: {  	vm0 =	vgt.f32 v4, $0.0e+00  }
0x5b: {  	v4 =	vsel vm0, v4, v5  }
0x5c: {  	v4 =	vmul.f32 $1.442695020e+00, v4;
	_ =	sdelay $0x1  }
0x5d: {  	(erf) = vpow2.f32 v4  }
0x5e: {  	v5 =	vshll.u32 v2, $0x3;
	v4 =	vshll.u32 v3, $0x8  }
0x5f: {  	v5 =	vand.u32 $0xFFFFFC00, v5;
	v3 =	vshll.u32 v3, $0x7;
	v4 =	vand.u32 $0xFFFFF800, v4  }
0x60: {  	v3 =	vand.u32 $0x380, v3;
	v4 =	vadd.s32 v5, v4  }
0x61: {  	v2 =	vand.u32 $0x7F, v2;
	v3 =	vor.u32 v3, v4  }
0x62: {  	v2 =	vor.u32 v2, v3;
	_ =	sdelay $0x1  }
.Ltmp2:
0x63: {  	(pc) =	sbr.rel @p0 .LBB2_5-.Ltmp2, $4  }
0x64: {  	_ = 	snop  }
0x65: {  	v3 =	vpop (erf)  }
0x66: {  	s16 =	sshra.s32 s15, $0x2;
	[tilespmem:v2+s13+$0x0] =	vst.idx.add.f32.msk $0xffff, v3  }
0x67: {  	s15 =	sadd.s32 $0x40, s15;
	v2 =	vld [tilespmem:s16+$0x400]  }
0x68: {  	v3 =	vld [tilespmem:s16+$0xC00];
	_ =	sdelay $0x3  }
0x69: {  	v4 =	vshll.u32 v2, $0x1  }
0x6a: {  	v4 =	vor.u32 v0, v4;
	v5 =	vshll.u32 v3, $0x1  }
0x6b: {  	v5 =	vor.u32 v0, v5;
	_ =	sdelay $0x3  }
0x6c: {  	v4 =	vld.idx.msk [tilespmem:v4+s2+$0x0], $0xffff  }
0x6d: {  	v5 =	vld.idx.msk [tilespmem:v5+s10+$0x0], $0xffff;
	_ =	sdelay $0x4  }
0x6e: {  	v4 =	vadd.f32 v5, v4;
	_ =	sdelay $0x1  }
0x6f: {  	v5 =	vmul.f32 $2.000000030e-01, v4  }
0x70: {  	vm0 =	vgt.f32 v4, $0.0e+00  }
0x71: {  	v4 =	vsel vm0, v4, v5  }
0x72: {  	v4 =	vmul.f32 $1.442695020e+00, v4;
	_ =	sdelay $0x1  }
0x73: {  	(erf) = vpow2.f32 v4  }
0x74: {  	v63 =	vshll.u32 v2, $0x3;
	v62 =	vshll.u32 v3, $0x8  }
0x75: {  	v3 =	vshll.u32 v3, $0x7;
	v5 =	vand.u32 $0xFFFFFC00, v63;
	v4 =	vand.u32 $0xFFFFF800, v62  }
0x76: {  	v3 =	vand.u32 $0x380, v3;
	v4 =	vadd.s32 v5, v4  }
0x77: {  	v2 =	vand.u32 $0x7F, v2;
	v3 =	vor.u32 v3, v4  }
0x78: {  	v2 =	vor.u32 v2, v3;
	_ =	sdelay $0x2  }
0x79: {  	s14 =	sadd.s32 $0x1, s14  }
0x7a: {  	p0 =	sne.s32 s14, s8;
	v3 =	vpop (erf)  }
.Ltmp3:
0x7b: {  	[tilespmem:v2+s13+$0x0] =	vst.idx.add.f32.msk $0xffff, v3;
	(pc) =	sbr.rel @p0 .LBB2_2-.Ltmp3, $4  }
0x7c: {  	[hbm4b:s7+s2] =	stream.linear.scatter [tilespmem:s13], [sflag:$0x1], $0x10000, $0x38;
	[tilespmem:$0x11400] =	vst v63  }
0x7d: {  	_ =	swait.ge [sflag:s9], $0x10000  }
0x7e: {  	[sflag:s9] =	ssyncset.done $0x0  }
0x7f: {  	[sflag:s9] =	ssyncadd.s32 $0xFFFF0000  }
.LBB2_7:
0x80: {  	_ =	sfence.sel $0x180000  }
0x81: {  	[bflag:$0x0] =	sbarrier.arrive $0xFFFF  }
0x82: {  	p0 =	sne.s32 s1, $0x0;
	_ =	strace $0x90000047  }
0x83: {  	s0 =	sadd.s32 @!p0 $0x100000, s0;
	[bflag:$0x2] =	sbarrier.arrive $0xFFFF  }
0x84: {  	[sflag:s0] =	ssyncadd.tile.s32 @!p0 $0x1;
	_ =	shalt  }
.Lfunc_end2:
_tile_overlayer_lowered:
.L_overlay_start_2:
0x85: {  	(tag) =	ssettag $0x2  }
0x86: {  	s0 =	rddreg [dreg:$0x0];
	s2 =	stileid.u32  }
0x87: {  	s1 =	rddreg [dreg:$0x1];
	p0 =	sne.s32 s2, $0x0  }
0x88: {  	s3 =	rddreg [dreg:$0x2];
	[bflag:$0x3] =	sbarrier.arrive $0xFFFF;
	s2 =	simm.s32 @!p0 $0x1C01  }
0x89: {  	[timem:s3], [sflag:s2] =	dma.local @!p0 [hbm:s0], s1  }
0x8a: {  	s0 =	simm.s32 @!p0 $0x1  }
0x8b: {  	_ =	swait.ge @!p0 [sflag:s0], s1  }
0x8c: {  	s1 =	ssub.s32 @!p0 $0x0, s1;
	[sflag:s0] =	ssyncset.done @!p0 $0x0  }
0x8d: {  	[sflag:s0] =	ssyncadd.s32 @!p0 s1  }
0x8e: {  	[bflag:$0x3] =	sbarrier.arrive $0xFFFF  }
0x8f: {  	_ =	shalt  }

</sc_bundles>
